<compile_context>
chip_gen: v7x
topology: tpu7x:2x2x1
jax: 0.10.2.dev20260603
libtpu: 0.0.44.dev20260713+nightly
codegen_flags: <defaults>
</compile_context>

<pallas_src>
import functools

import jax
import jax.numpy as jnp
from jax import lax
from jax.experimental import pallas as pl
from jax.experimental.pallas import tpu as pltpu
from jax.experimental.pallas import tpu_sc as plsc

NUM_COLS = 26
VOCAB = 100000
EMBED_DIM = 32
BATCH = 16384

TOTAL = BATCH * NUM_COLS
NC, NS, LANES = 2, 16, 16
NW = NC * NS
PER_W = TOTAL // NW
SPW = 128
ROWS_W = PER_W // SPW
CHUNK = 1024
SPC = CHUNK // SPW
NCHUNK = PER_W // CHUNK


def _body(x_hbm, tab_hbm, out_hbm, idx_v, rows_v, gsem):
    wid = lax.axis_index("s") * NC + lax.axis_index("c")
    base_row = wid * ROWS_W

    pltpu.sync_copy(x_hbm.at[pl.ds(base_row, ROWS_W)], idx_v)

    lane = lax.iota(jnp.int32, LANES)

    def add_off(j, _):
        for k in range(SPW // LANES):
            pos = lane + (j * SPW + k * LANES)
            off = (pos % NUM_COLS) * VOCAB
            sl = pl.ds(k * LANES, LANES)
            idx_v[j, sl] = idx_v[j, sl] + off
        return 0

    lax.fori_loop(0, ROWS_W, add_off, 0)

    def chunk(c, _):
        cps = [
            pltpu.async_copy(
                tab_hbm.at[idx_v.at[c * SPC + s]],
                rows_v.at[pl.ds(s * SPW, SPW)],
                gsem,
            )
            for s in range(SPC)
        ]
        for cp in cps:
            cp.wait()
        pltpu.sync_copy(rows_v, out_hbm.at[pl.ds(wid * PER_W + c * CHUNK, CHUNK)])
        return 0

    lax.fori_loop(0, NCHUNK, chunk, 0)


@functools.partial(
    pl.kernel,
    out_type=jax.ShapeDtypeStruct((TOTAL, EMBED_DIM), jnp.float32),
    mesh=plsc.VectorSubcoreMesh(
        core_axis_name="c", subcore_axis_name="s", num_cores=NC, num_subcores=NS
    ),
    scratch_types=[
        pltpu.VMEM((ROWS_W, SPW), jnp.int32),
        pltpu.VMEM((CHUNK, EMBED_DIM), jnp.float32),
        pltpu.SemaphoreType.DMA,
    ],
    compiler_params=pltpu.CompilerParams(use_tc_tiling_on_sc=False),
)
def _gather(x_hbm, tab_hbm, out_hbm, idx_v, rows_v, gsem):
    _body(x_hbm, tab_hbm, out_hbm, idx_v, rows_v, gsem)


def kernel(x_batch, tables):
    x_flat = x_batch.astype(jnp.int32).reshape(TOTAL // SPW, SPW)
    tab = tables.reshape(NUM_COLS * VOCAB, EMBED_DIM)
    out = _gather(x_flat, tab)
    return out.reshape(BATCH, NUM_COLS * EMBED_DIM)

# --- scband reference (transcript-rebuilt; emitter-appended) ---
"""Pipeline reference for scband-encoder-61186104099151 (READ-ONLY COPY).

The authoritative reference and input builder live on the scoring server;
editing this copy changes nothing except your own understanding.
"""

import jax, jax.numpy as jnp
import numpy as np

NUM_COLS = 26
VOCAB = 100000
EMBED_DIM = 32
BATCH = 16384


def setup_inputs(seed: int = 0) -> dict:
    key = jax.random.key(seed)
    k_idx, k_tab = jax.random.split(key)
    # x_batch: categorical feature indices, one vocab-100000 column per sparse field
    x_batch = jax.random.randint(k_idx, (BATCH, NUM_COLS), 0, VOCAB)
    # 26 embedding tables, each [VOCAB, EMBED_DIM], truncated-normal-style init (std=0.02)
    tables = jax.random.normal(k_tab, (NUM_COLS, VOCAB, EMBED_DIM), dtype=jnp.float32) * 0.02
    return {"x_batch": x_batch, "tables": tables}


def reference(x_batch, tables):
    # Encoder.forward with batch_indices=None and only embedding methods registered:
    #   indices = x_batch[..., tgt_columns[embed_indices]]  (here: all 26 columns)
    #   per-column nn.functional.embedding lookups, then torch.cat(dim=1)
    # Per-column gather: tables[i][x_batch[:, i]] -> [BATCH, EMBED_DIM]
    gathered = jax.vmap(lambda table, idx: jnp.take(table, idx, axis=0), in_axes=(0, 1))(tables, x_batch)
    # gathered: [NUM_COLS, BATCH, EMBED_DIM]; concat along feature dim (dim=1) preserving column order
    embedding = jnp.transpose(gathered, (1, 0, 2)).reshape(x_batch.shape[0], NUM_COLS * EMBED_DIM)
    # EncodingResult(one_hot=None, embedding=embedding); merged == embedding
    return embedding

if __name__ == "__main__":
    import jax
    _d = setup_inputs()
    print(jax.jit(kernel)(*tuple(_d.values())))

</pallas_src>

<mosaic_0001>
#map = affine_map<(d0, d1) -> (0, 0)>
module attributes {stable_mosaic.version = 14 : i64} {
  func.func @_gather(%arg0: i32, %arg1: i32, %arg2: memref<3328x128xi32, #tpu.memory_space<hbm>>, %arg3: memref<2600000x32xf32, #tpu.memory_space<hbm>>, %arg4: memref<425984x32xf32, #tpu.memory_space<hbm>>, %arg5: memref<104x128xi32, #tpu.memory_space<vmem>>, %arg6: memref<1024x32xf32, #tpu.memory_space<vmem>>, %arg7: memref<!tpu.dma_semaphore, #tpu.memory_space<semaphore_mem>>) attributes {dimension_semantics = [#tpu.dimension_semantics<core_parallel>, #tpu.dimension_semantics<subcore_parallel>], iteration_bounds = array<i64: 2, 16>, scalar_prefetch = 0 : i64, scratch_operands = 3 : i64, tpu.core_type = #tpu.core_type<sc_vector_subcore>, window_params = [{transform_indices = #map}, {transform_indices = #map}, {transform_indices = #map}]} {
    %mul3A = arith.constant 2 : i32
    %mul3A_0 = arith.muli %arg1, %mul3A : i32
    %add3A = arith.addi %mul3A_0, %arg0 : i32
    %mul3A_1 = arith.constant 104 : i32
    %mul3A_2 = arith.muli %add3A, %mul3A_1 : i32
    "tpu.region"() ({
      %run_scoped3A = tpu.sem_alloc : memref<!tpu.dma_semaphore, #tpu.memory_space<semaphore_mem>>
      %dma_start3A = arith.constant 0 : i32
      %dma_start3A_16 = tpu.memref_slice %arg2[%mul3A_2, %dma_start3A] : memref<3328x128xi32, #tpu.memory_space<hbm>> -> memref<104x128xi32, #tpu.memory_space<hbm>>
      %dma_start3A_17 = arith.constant 0 : i32
      %dma_start3A_18 = tpu.memref_slice %arg2[%mul3A_2, %dma_start3A_17] : memref<3328x128xi32, #tpu.memory_space<hbm>> -> memref<104x128xi32, #tpu.memory_space<hbm>>
      tpu.enqueue_dma source(%dma_start3A_18 : memref<104x128xi32, #tpu.memory_space<hbm>>) target(%arg5 : memref<104x128xi32, #tpu.memory_space<vmem>>) target_semaphore(%run_scoped3A : memref<!tpu.dma_semaphore, #tpu.memory_space<semaphore_mem>>)
      %dma_wait3A = arith.constant 0 : i32
      %dma_wait3A_19 = tpu.memref_slice %arg2[%mul3A_2, %dma_wait3A] : memref<3328x128xi32, #tpu.memory_space<hbm>> -> memref<104x128xi32, #tpu.memory_space<hbm>>
      %dma_wait3A_20 = arith.constant 0 : i32
      %dma_wait3A_21 = tpu.memref_slice %arg2[%mul3A_2, %dma_wait3A_20] : memref<3328x128xi32, #tpu.memory_space<hbm>> -> memref<104x128xi32, #tpu.memory_space<hbm>>
      tpu.wait_dma2 semaphore(%run_scoped3A : memref<!tpu.dma_semaphore, #tpu.memory_space<semaphore_mem>>) src(%dma_wait3A_21 : memref<104x128xi32, #tpu.memory_space<hbm>>) dst(%arg5 : memref<104x128xi32, #tpu.memory_space<vmem>>)
      tpu.yield
    }) : () -> ()
    %iota3A = tpu.iota {dimensions = array<i32: 0>} : vector<16xi32>
    %scan3A = arith.constant 0 : i32
    %scan3A_3 = arith.constant 0 : i32
    %scan3A_4 = arith.constant 104 : i32
    %scan3A_5 = arith.addi %scan3A_3, %scan3A_4 : i32
    %scan3A_6 = arith.constant 1 : i32
    %scan3A_7 = scf.for %scan3A_16 = %scan3A_3 to %scan3A_5 step %scan3A_6 iter_args(%scan3A_17 = %scan3A) -> (i32)  : i32 {
      %mul3A_18 = arith.constant 128 : i32
      %mul3A_19 = arith.muli %scan3A_16, %mul3A_18 : i32
      %add3A_20 = arith.constant 0 : i32
      %add3A_21 = arith.addi %mul3A_19, %add3A_20 : i32
      %add3A_22 = vector.broadcast %add3A_21 : i32 to vector<16xi32>
      %add3A_23 = arith.addi %iota3A, %add3A_22 : vector<16xi32>
      %jit3A = arith.constant 26 : i32
      %eq3A = arith.constant 0 : i32
      %eq3A_24 = arith.cmpi eq, %jit3A, %eq3A : i32
      %jit3A_25 = arith.constant 1 : i32
      %select_n3A = arith.select %eq3A_24, %jit3A_25, %jit3A : i32
      %rem3A = vector.broadcast %select_n3A : i32 to vector<16xi32>
      %rem3A_26 = arith.remsi %add3A_23, %rem3A : vector<16xi32>
      %ne3A = arith.constant 0 : i32
      %ne3A_27 = vector.broadcast %ne3A : i32 to vector<16xi32>
      %ne3A_28 = arith.cmpi ne, %rem3A_26, %ne3A_27 : vector<16xi32>
      %lt3A = arith.constant 0 : i32
      %lt3A_29 = vector.broadcast %lt3A : i32 to vector<16xi32>
      %lt3A_30 = arith.cmpi slt, %rem3A_26, %lt3A_29 : vector<16xi32>
      %lt3A_31 = arith.constant 0 : i32
      %lt3A_32 = arith.cmpi slt, %select_n3A, %lt3A_31 : i32
      %ne3A_33 = vector.broadcast %lt3A_32 : i1 to vector<16xi1>
      %ne3A_34 = vector.broadcast %ne3A_33 : vector<16xi1> to vector<16xi1>
      %ne3A_35 = arith.xori %lt3A_30, %ne3A_34 : vector<16xi1>
      %and3A = arith.andi %ne3A_35, %ne3A_28 : vector<16xi1>
      %add3A_36 = vector.broadcast %select_n3A : i32 to vector<16xi32>
      %add3A_37 = arith.addi %rem3A_26, %add3A_36 : vector<16xi32>
      %select_n3A_38 = arith.select %and3A, %add3A_37, %rem3A_26 : vector<16xi1>, vector<16xi32>
      %mul3A_39 = arith.constant 100000 : i32
      %mul3A_40 = vector.broadcast %mul3A_39 : i32 to vector<16xi32>
      %mul3A_41 = arith.muli %select_n3A_38, %mul3A_40 : vector<16xi32>
      %get3A = arith.index_cast %scan3A_16 : i32 to index
      %get3A_42 = arith.constant 0 : index
      %get3A_43 = tpu.vector_load %arg5[%get3A, %get3A_42] {strides = array<i32>} : memref<104x128xi32, #tpu.memory_space<vmem>>, vector<1x16xi32>,
      %get3A_44 = vector.shape_cast %get3A_43 : vector<1x16xi32> to vector<16xi32>
      %add3A_45 = arith.addi %get3A_44, %mul3A_41 : vector<16xi32>
      %swap3A = arith.index_cast %scan3A_16 : i32 to index
      %swap3A_46 = arith.constant 0 : index
      %swap3A_47 = tpu.vector_load %arg5[%swap3A, %swap3A_46] {strides = array<i32>} : memref<104x128xi32, #tpu.memory_space<vmem>>, vector<1x16xi32>,
      %swap3A_48 = vector.shape_cast %swap3A_47 : vector<1x16xi32> to vector<16xi32>
      %swap3A_49 = vector.shape_cast %add3A_45 : vector<16xi32> to vector<1x16xi32>
      tpu.vector_store %arg5[%swap3A, %swap3A_46], %swap3A_49 {strides = array<i32>} : memref<104x128xi32, #tpu.memory_space<vmem>>, vector<1x16xi32>,
      %mul3A_50 = arith.constant 128 : i32
      %mul3A_51 = arith.muli %scan3A_16, %mul3A_50 : i32
      %add3A_52 = arith.constant 16 : i32
      %add3A_53 = arith.addi %mul3A_51, %add3A_52 : i32
      %add3A_54 = vector.broadcast %add3A_53 : i32 to vector<16xi32>
      %add3A_55 = arith.addi %iota3A, %add3A_54 : vector<16xi32>
      %jit3A_56 = arith.constant 26 : i32
      %eq3A_57 = arith.constant 0 : i32
      %eq3A_58 = arith.cmpi eq, %jit3A_56, %eq3A_57 : i32
      %jit3A_59 = arith.constant 1 : i32
      %select_n3A_60 = arith.select %eq3A_58, %jit3A_59, %jit3A_56 : i32
      %rem3A_61 = vector.broadcast %select_n3A_60 : i32 to vector<16xi32>
      %rem3A_62 = arith.remsi %add3A_55, %rem3A_61 : vector<16xi32>
      %ne3A_63 = arith.constant 0 : i32
      %ne3A_64 = vector.broadcast %ne3A_63 : i32 to vector<16xi32>
      %ne3A_65 = arith.cmpi ne, %rem3A_62, %ne3A_64 : vector<16xi32>
      %lt3A_66 = arith.constant 0 : i32
      %lt3A_67 = vector.broadcast %lt3A_66 : i32 to vector<16xi32>
      %lt3A_68 = arith.cmpi slt, %rem3A_62, %lt3A_67 : vector<16xi32>
      %lt3A_69 = arith.constant 0 : i32
      %lt3A_70 = arith.cmpi slt, %select_n3A_60, %lt3A_69 : i32
      %ne3A_71 = vector.broadcast %lt3A_70 : i1 to vector<16xi1>
      %ne3A_72 = vector.broadcast %ne3A_71 : vector<16xi1> to vector<16xi1>
      %ne3A_73 = arith.xori %lt3A_68, %ne3A_72 : vector<16xi1>
      %and3A_74 = arith.andi %ne3A_73, %ne3A_65 : vector<16xi1>
      %add3A_75 = vector.broadcast %select_n3A_60 : i32 to vector<16xi32>
      %add3A_76 = arith.addi %rem3A_62, %add3A_75 : vector<16xi32>
      %select_n3A_77 = arith.select %and3A_74, %add3A_76, %rem3A_62 : vector<16xi1>, vector<16xi32>
      %mul3A_78 = arith.constant 100000 : i32
      %mul3A_79 = vector.broadcast %mul3A_78 : i32 to vector<16xi32>
      %mul3A_80 = arith.muli %select_n3A_77, %mul3A_79 : vector<16xi32>
      %get3A_81 = arith.index_cast %scan3A_16 : i32 to index
      %get3A_82 = arith.constant 16 : index
      %get3A_83 = tpu.vector_load %arg5[%get3A_81, %get3A_82] {strides = array<i32>} : memref<104x128xi32, #tpu.memory_space<vmem>>, vector<1x16xi32>,
      %get3A_84 = vector.shape_cast %get3A_83 : vector<1x16xi32> to vector<16xi32>
      %add3A_85 = arith.addi %get3A_84, %mul3A_80 : vector<16xi32>
      %swap3A_86 = arith.index_cast %scan3A_16 : i32 to index
      %swap3A_87 = arith.constant 16 : index
      %swap3A_88 = tpu.vector_load %arg5[%swap3A_86, %swap3A_87] {strides = array<i32>} : memref<104x128xi32, #tpu.memory_space<vmem>>, vector<1x16xi32>,
      %swap3A_89 = vector.shape_cast %swap3A_88 : vector<1x16xi32> to vector<16xi32>
      %swap3A_90 = vector.shape_cast %add3A_85 : vector<16xi32> to vector<1x16xi32>
      tpu.vector_store %arg5[%swap3A_86, %swap3A_87], %swap3A_90 {strides = array<i32>} : memref<104x128xi32, #tpu.memory_space<vmem>>, vector<1x16xi32>,
      %mul3A_91 = arith.constant 128 : i32
      %mul3A_92 = arith.muli %scan3A_16, %mul3A_91 : i32
      %add3A_93 = arith.constant 32 : i32
      %add3A_94 = arith.addi %mul3A_92, %add3A_93 : i32
      %add3A_95 = vector.broadcast %add3A_94 : i32 to vector<16xi32>
      %add3A_96 = arith.addi %iota3A, %add3A_95 : vector<16xi32>
      %jit3A_97 = arith.constant 26 : i32
      %eq3A_98 = arith.constant 0 : i32
      %eq3A_99 = arith.cmpi eq, %jit3A_97, %eq3A_98 : i32
      %jit3A_100 = arith.constant 1 : i32
      %select_n3A_101 = arith.select %eq3A_99, %jit3A_100, %jit3A_97 : i32
      %rem3A_102 = vector.broadcast %select_n3A_101 : i32 to vector<16xi32>
      %rem3A_103 = arith.remsi %add3A_96, %rem3A_102 : vector<16xi32>
      %ne3A_104 = arith.constant 0 : i32
      %ne3A_105 = vector.broadcast %ne3A_104 : i32 to vector<16xi32>
      %ne3A_106 = arith.cmpi ne, %rem3A_103, %ne3A_105 : vector<16xi32>
      %lt3A_107 = arith.constant 0 : i32
      %lt3A_108 = vector.broadcast %lt3A_107 : i32 to vector<16xi32>
      %lt3A_109 = arith.cmpi slt, %rem3A_103, %lt3A_108 : vector<16xi32>
      %lt3A_110 = arith.constant 0 : i32
      %lt3A_111 = arith.cmpi slt, %select_n3A_101, %lt3A_110 : i32
      %ne3A_112 = vector.broadcast %lt3A_111 : i1 to vector<16xi1>
      %ne3A_113 = vector.broadcast %ne3A_112 : vector<16xi1> to vector<16xi1>
      %ne3A_114 = arith.xori %lt3A_109, %ne3A_113 : vector<16xi1>
      %and3A_115 = arith.andi %ne3A_114, %ne3A_106 : vector<16xi1>
      %add3A_116 = vector.broadcast %select_n3A_101 : i32 to vector<16xi32>
      %add3A_117 = arith.addi %rem3A_103, %add3A_116 : vector<16xi32>
      %select_n3A_118 = arith.select %and3A_115, %add3A_117, %rem3A_103 : vector<16xi1>, vector<16xi32>
      %mul3A_119 = arith.constant 100000 : i32
      %mul3A_120 = vector.broadcast %mul3A_119 : i32 to vector<16xi32>
      %mul3A_121 = arith.muli %select_n3A_118, %mul3A_120 : vector<16xi32>
      %get3A_122 = arith.index_cast %scan3A_16 : i32 to index
      %get3A_123 = arith.constant 32 : index
      %get3A_124 = tpu.vector_load %arg5[%get3A_122, %get3A_123] {strides = array<i32>} : memref<104x128xi32, #tpu.memory_space<vmem>>, vector<1x16xi32>,
      %get3A_125 = vector.shape_cast %get3A_124 : vector<1x16xi32> to vector<16xi32>
      %add3A_126 = arith.addi %get3A_125, %mul3A_121 : vector<16xi32>
      %swap3A_127 = arith.index_cast %scan3A_16 : i32 to index
      %swap3A_128 = arith.constant 32 : index
      %swap3A_129 = tpu.vector_load %arg5[%swap3A_127, %swap3A_128] {strides = array<i32>} : memref<104x128xi32, #tpu.memory_space<vmem>>, vector<1x16xi32>,
      %swap3A_130 = vector.shape_cast %swap3A_129 : vector<1x16xi32> to vector<16xi32>
      %swap3A_131 = vector.shape_cast %add3A_126 : vector<16xi32> to vector<1x16xi32>
      tpu.vector_store %arg5[%swap3A_127, %swap3A_128], %swap3A_131 {strides = array<i32>} : memref<104x128xi32, #tpu.memory_space<vmem>>, vector<1x16xi32>,
      %mul3A_132 = arith.constant 128 : i32
      %mul3A_133 = arith.muli %scan3A_16, %mul3A_132 : i32
      %add3A_134 = arith.constant 48 : i32
      %add3A_135 = arith.addi %mul3A_133, %add3A_134 : i32
      %add3A_136 = vector.broadcast %add3A_135 : i32 to vector<16xi32>
      %add3A_137 = arith.addi %iota3A, %add3A_136 : vector<16xi32>
      %jit3A_138 = arith.constant 26 : i32
      %eq3A_139 = arith.constant 0 : i32
      %eq3A_140 = arith.cmpi eq, %jit3A_138, %eq3A_139 : i32
      %jit3A_141 = arith.constant 1 : i32
      %select_n3A_142 = arith.select %eq3A_140, %jit3A_141, %jit3A_138 : i32
      %rem3A_143 = vector.broadcast %select_n3A_142 : i32 to vector<16xi32>
      %rem3A_144 = arith.remsi %add3A_137, %rem3A_143 : vector<16xi32>
      %ne3A_145 = arith.constant 0 : i32
      %ne3A_146 = vector.broadcast %ne3A_145 : i32 to vector<16xi32>
      %ne3A_147 = arith.cmpi ne, %rem3A_144, %ne3A_146 : vector<16xi32>
      %lt3A_148 = arith.constant 0 : i32
      %lt3A_149 = vector.broadcast %lt3A_148 : i32 to vector<16xi32>
      %lt3A_150 = arith.cmpi slt, %rem3A_144, %lt3A_149 : vector<16xi32>
      %lt3A_151 = arith.constant 0 : i32
      %lt3A_152 = arith.cmpi slt, %select_n3A_142, %lt3A_151 : i32
      %ne3A_153 = vector.broadcast %lt3A_152 : i1 to vector<16xi1>
      %ne3A_154 = vector.broadcast %ne3A_153 : vector<16xi1> to vector<16xi1>
      %ne3A_155 = arith.xori %lt3A_150, %ne3A_154 : vector<16xi1>
      %and3A_156 = arith.andi %ne3A_155, %ne3A_147 : vector<16xi1>
      %add3A_157 = vector.broadcast %select_n3A_142 : i32 to vector<16xi32>
      %add3A_158 = arith.addi %rem3A_144, %add3A_157 : vector<16xi32>
      %select_n3A_159 = arith.select %and3A_156, %add3A_158, %rem3A_144 : vector<16xi1>, vector<16xi32>
      %mul3A_160 = arith.constant 100000 : i32
      %mul3A_161 = vector.broadcast %mul3A_160 : i32 to vector<16xi32>
      %mul3A_162 = arith.muli %select_n3A_159, %mul3A_161 : vector<16xi32>
      %get3A_163 = arith.index_cast %scan3A_16 : i32 to index
      %get3A_164 = arith.constant 48 : index
      %get3A_165 = tpu.vector_load %arg5[%get3A_163, %get3A_164] {strides = array<i32>} : memref<104x128xi32, #tpu.memory_space<vmem>>, vector<1x16xi32>,
      %get3A_166 = vector.shape_cast %get3A_165 : vector<1x16xi32> to vector<16xi32>
      %add3A_167 = arith.addi %get3A_166, %mul3A_162 : vector<16xi32>
      %swap3A_168 = arith.index_cast %scan3A_16 : i32 to index
      %swap3A_169 = arith.constant 48 : index
      %swap3A_170 = tpu.vector_load %arg5[%swap3A_168, %swap3A_169] {strides = array<i32>} : memref<104x128xi32, #tpu.memory_space<vmem>>, vector<1x16xi32>,
      %swap3A_171 = vector.shape_cast %swap3A_170 : vector<1x16xi32> to vector<16xi32>
      %swap3A_172 = vector.shape_cast %add3A_167 : vector<16xi32> to vector<1x16xi32>
      tpu.vector_store %arg5[%swap3A_168, %swap3A_169], %swap3A_172 {strides = array<i32>} : memref<104x128xi32, #tpu.memory_space<vmem>>, vector<1x16xi32>,
      %mul3A_173 = arith.constant 128 : i32
      %mul3A_174 = arith.muli %scan3A_16, %mul3A_173 : i32
      %add3A_175 = arith.constant 64 : i32
      %add3A_176 = arith.addi %mul3A_174, %add3A_175 : i32
      %add3A_177 = vector.broadcast %add3A_176 : i32 to vector<16xi32>
      %add3A_178 = arith.addi %iota3A, %add3A_177 : vector<16xi32>
      %jit3A_179 = arith.constant 26 : i32
      %eq3A_180 = arith.constant 0 : i32
      %eq3A_181 = arith.cmpi eq, %jit3A_179, %eq3A_180 : i32
      %jit3A_182 = arith.constant 1 : i32
      %select_n3A_183 = arith.select %eq3A_181, %jit3A_182, %jit3A_179 : i32
      %rem3A_184 = vector.broadcast %select_n3A_183 : i32 to vector<16xi32>
      %rem3A_185 = arith.remsi %add3A_178, %rem3A_184 : vector<16xi32>
      %ne3A_186 = arith.constant 0 : i32
      %ne3A_187 = vector.broadcast %ne3A_186 : i32 to vector<16xi32>
      %ne3A_188 = arith.cmpi ne, %rem3A_185, %ne3A_187 : vector<16xi32>
      %lt3A_189 = arith.constant 0 : i32
      %lt3A_190 = vector.broadcast %lt3A_189 : i32 to vector<16xi32>
      %lt3A_191 = arith.cmpi slt, %rem3A_185, %lt3A_190 : vector<16xi32>
      %lt3A_192 = arith.constant 0 : i32
      %lt3A_193 = arith.cmpi slt, %select_n3A_183, %lt3A_192 : i32
      %ne3A_194 = vector.broadcast %lt3A_193 : i1 to vector<16xi1>
      %ne3A_195 = vector.broadcast %ne3A_194 : vector<16xi1> to vector<16xi1>
      %ne3A_196 = arith.xori %lt3A_191, %ne3A_195 : vector<16xi1>
      %and3A_197 = arith.andi %ne3A_196, %ne3A_188 : vector<16xi1>
      %add3A_198 = vector.broadcast %select_n3A_183 : i32 to vector<16xi32>
      %add3A_199 = arith.addi %rem3A_185, %add3A_198 : vector<16xi32>
      %select_n3A_200 = arith.select %and3A_197, %add3A_199, %rem3A_185 : vector<16xi1>, vector<16xi32>
      %mul3A_201 = arith.constant 100000 : i32
      %mul3A_202 = vector.broadcast %mul3A_201 : i32 to vector<16xi32>
      %mul3A_203 = arith.muli %select_n3A_200, %mul3A_202 : vector<16xi32>
      %get3A_204 = arith.index_cast %scan3A_16 : i32 to index
      %get3A_205 = arith.constant 64 : index
      %get3A_206 = tpu.vector_load %arg5[%get3A_204, %get3A_205] {strides = array<i32>} : memref<104x128xi32, #tpu.memory_space<vmem>>, vector<1x16xi32>,
      %get3A_207 = vector.shape_cast %get3A_206 : vector<1x16xi32> to vector<16xi32>
      %add3A_208 = arith.addi %get3A_207, %mul3A_203 : vector<16xi32>
      %swap3A_209 = arith.index_cast %scan3A_16 : i32 to index
      %swap3A_210 = arith.constant 64 : index
      %swap3A_211 = tpu.vector_load %arg5[%swap3A_209, %swap3A_210] {strides = array<i32>} : memref<104x128xi32, #tpu.memory_space<vmem>>, vector<1x16xi32>,
      %swap3A_212 = vector.shape_cast %swap3A_211 : vector<1x16xi32> to vector<16xi32>
      %swap3A_213 = vector.shape_cast %add3A_208 : vector<16xi32> to vector<1x16xi32>
      tpu.vector_store %arg5[%swap3A_209, %swap3A_210], %swap3A_213 {strides = array<i32>} : memref<104x128xi32, #tpu.memory_space<vmem>>, vector<1x16xi32>,
      %mul3A_214 = arith.constant 128 : i32
      %mul3A_215 = arith.muli %scan3A_16, %mul3A_214 : i32
      %add3A_216 = arith.constant 80 : i32
      %add3A_217 = arith.addi %mul3A_215, %add3A_216 : i32
      %add3A_218 = vector.broadcast %add3A_217 : i32 to vector<16xi32>
      %add3A_219 = arith.addi %iota3A, %add3A_218 : vector<16xi32>
      %jit3A_220 = arith.constant 26 : i32
      %eq3A_221 = arith.constant 0 : i32
      %eq3A_222 = arith.cmpi eq, %jit3A_220, %eq3A_221 : i32
      %jit3A_223 = arith.constant 1 : i32
      %select_n3A_224 = arith.select %eq3A_222, %jit3A_223, %jit3A_220 : i32
      %rem3A_225 = vector.broadcast %select_n3A_224 : i32 to vector<16xi32>
      %rem3A_226 = arith.remsi %add3A_219, %rem3A_225 : vector<16xi32>
      %ne3A_227 = arith.constant 0 : i32
      %ne3A_228 = vector.broadcast %ne3A_227 : i32 to vector<16xi32>
      %ne3A_229 = arith.cmpi ne, %rem3A_226, %ne3A_228 : vector<16xi32>
      %lt3A_230 = arith.constant 0 : i32
      %lt3A_231 = vector.broadcast %lt3A_230 : i32 to vector<16xi32>
      %lt3A_232 = arith.cmpi slt, %rem3A_226, %lt3A_231 : vector<16xi32>
      %lt3A_233 = arith.constant 0 : i32
      %lt3A_234 = arith.cmpi slt, %select_n3A_224, %lt3A_233 : i32
      %ne3A_235 = vector.broadcast %lt3A_234 : i1 to vector<16xi1>
      %ne3A_236 = vector.broadcast %ne3A_235 : vector<16xi1> to vector<16xi1>
      %ne3A_237 = arith.xori %lt3A_232, %ne3A_236 : vector<16xi1>
      %and3A_238 = arith.andi %ne3A_237, %ne3A_229 : vector<16xi1>
      %add3A_239 = vector.broadcast %select_n3A_224 : i32 to vector<16xi32>
      %add3A_240 = arith.addi %rem3A_226, %add3A_239 : vector<16xi32>
      %select_n3A_241 = arith.select %and3A_238, %add3A_240, %rem3A_226 : vector<16xi1>, vector<16xi32>
      %mul3A_242 = arith.constant 100000 : i32
      %mul3A_243 = vector.broadcast %mul3A_242 : i32 to vector<16xi32>
      %mul3A_244 = arith.muli %select_n3A_241, %mul3A_243 : vector<16xi32>
      %get3A_245 = arith.index_cast %scan3A_16 : i32 to index
      %get3A_246 = arith.constant 80 : index
      %get3A_247 = tpu.vector_load %arg5[%get3A_245, %get3A_246] {strides = array<i32>} : memref<104x128xi32, #tpu.memory_space<vmem>>, vector<1x16xi32>,
      %get3A_248 = vector.shape_cast %get3A_247 : vector<1x16xi32> to vector<16xi32>
      %add3A_249 = arith.addi %get3A_248, %mul3A_244 : vector<16xi32>
      %swap3A_250 = arith.index_cast %scan3A_16 : i32 to index
      %swap3A_251 = arith.constant 80 : index
      %swap3A_252 = tpu.vector_load %arg5[%swap3A_250, %swap3A_251] {strides = array<i32>} : memref<104x128xi32, #tpu.memory_space<vmem>>, vector<1x16xi32>,
      %swap3A_253 = vector.shape_cast %swap3A_252 : vector<1x16xi32> to vector<16xi32>
      %swap3A_254 = vector.shape_cast %add3A_249 : vector<16xi32> to vector<1x16xi32>
      tpu.vector_store %arg5[%swap3A_250, %swap3A_251], %swap3A_254 {strides = array<i32>} : memref<104x128xi32, #tpu.memory_space<vmem>>, vector<1x16xi32>,
      %mul3A_255 = arith.constant 128 : i32
      %mul3A_256 = arith.muli %scan3A_16, %mul3A_255 : i32
      %add3A_257 = arith.constant 96 : i32
      %add3A_258 = arith.addi %mul3A_256, %add3A_257 : i32
      %add3A_259 = vector.broadcast %add3A_258 : i32 to vector<16xi32>
      %add3A_260 = arith.addi %iota3A, %add3A_259 : vector<16xi32>
      %jit3A_261 = arith.constant 26 : i32
      %eq3A_262 = arith.constant 0 : i32
      %eq3A_263 = arith.cmpi eq, %jit3A_261, %eq3A_262 : i32
      %jit3A_264 = arith.constant 1 : i32
      %select_n3A_265 = arith.select %eq3A_263, %jit3A_264, %jit3A_261 : i32
      %rem3A_266 = vector.broadcast %select_n3A_265 : i32 to vector<16xi32>
      %rem3A_267 = arith.remsi %add3A_260, %rem3A_266 : vector<16xi32>
      %ne3A_268 = arith.constant 0 : i32
      %ne3A_269 = vector.broadcast %ne3A_268 : i32 to vector<16xi32>
      %ne3A_270 = arith.cmpi ne, %rem3A_267, %ne3A_269 : vector<16xi32>
      %lt3A_271 = arith.constant 0 : i32
      %lt3A_272 = vector.broadcast %lt3A_271 : i32 to vector<16xi32>
      %lt3A_273 = arith.cmpi slt, %rem3A_267, %lt3A_272 : vector<16xi32>
      %lt3A_274 = arith.constant 0 : i32
      %lt3A_275 = arith.cmpi slt, %select_n3A_265, %lt3A_274 : i32
      %ne3A_276 = vector.broadcast %lt3A_275 : i1 to vector<16xi1>
      %ne3A_277 = vector.broadcast %ne3A_276 : vector<16xi1> to vector<16xi1>
      %ne3A_278 = arith.xori %lt3A_273, %ne3A_277 : vector<16xi1>
      %and3A_279 = arith.andi %ne3A_278, %ne3A_270 : vector<16xi1>
      %add3A_280 = vector.broadcast %select_n3A_265 : i32 to vector<16xi32>
      %add3A_281 = arith.addi %rem3A_267, %add3A_280 : vector<16xi32>
      %select_n3A_282 = arith.select %and3A_279, %add3A_281, %rem3A_267 : vector<16xi1>, vector<16xi32>
      %mul3A_283 = arith.constant 100000 : i32
      %mul3A_284 = vector.broadcast %mul3A_283 : i32 to vector<16xi32>
      %mul3A_285 = arith.muli %select_n3A_282, %mul3A_284 : vector<16xi32>
      %get3A_286 = arith.index_cast %scan3A_16 : i32 to index
      %get3A_287 = arith.constant 96 : index
      %get3A_288 = tpu.vector_load %arg5[%get3A_286, %get3A_287] {strides = array<i32>} : memref<104x128xi32, #tpu.memory_space<vmem>>, vector<1x16xi32>,
      %get3A_289 = vector.shape_cast %get3A_288 : vector<1x16xi32> to vector<16xi32>
      %add3A_290 = arith.addi %get3A_289, %mul3A_285 : vector<16xi32>
      %swap3A_291 = arith.index_cast %scan3A_16 : i32 to index
      %swap3A_292 = arith.constant 96 : index
      %swap3A_293 = tpu.vector_load %arg5[%swap3A_291, %swap3A_292] {strides = array<i32>} : memref<104x128xi32, #tpu.memory_space<vmem>>, vector<1x16xi32>,
      %swap3A_294 = vector.shape_cast %swap3A_293 : vector<1x16xi32> to vector<16xi32>
      %swap3A_295 = vector.shape_cast %add3A_290 : vector<16xi32> to vector<1x16xi32>
      tpu.vector_store %arg5[%swap3A_291, %swap3A_292], %swap3A_295 {strides = array<i32>} : memref<104x128xi32, #tpu.memory_space<vmem>>, vector<1x16xi32>,
      %mul3A_296 = arith.constant 128 : i32
      %mul3A_297 = arith.muli %scan3A_16, %mul3A_296 : i32
      %add3A_298 = arith.constant 112 : i32
      %add3A_299 = arith.addi %mul3A_297, %add3A_298 : i32
      %add3A_300 = vector.broadcast %add3A_299 : i32 to vector<16xi32>
      %add3A_301 = arith.addi %iota3A, %add3A_300 : vector<16xi32>
      %jit3A_302 = arith.constant 26 : i32
      %eq3A_303 = arith.constant 0 : i32
      %eq3A_304 = arith.cmpi eq, %jit3A_302, %eq3A_303 : i32
      %jit3A_305 = arith.constant 1 : i32
      %select_n3A_306 = arith.select %eq3A_304, %jit3A_305, %jit3A_302 : i32
      %rem3A_307 = vector.broadcast %select_n3A_306 : i32 to vector<16xi32>
      %rem3A_308 = arith.remsi %add3A_301, %rem3A_307 : vector<16xi32>
      %ne3A_309 = arith.constant 0 : i32
      %ne3A_310 = vector.broadcast %ne3A_309 : i32 to vector<16xi32>
      %ne3A_311 = arith.cmpi ne, %rem3A_308, %ne3A_310 : vector<16xi32>
      %lt3A_312 = arith.constant 0 : i32
      %lt3A_313 = vector.broadcast %lt3A_312 : i32 to vector<16xi32>
      %lt3A_314 = arith.cmpi slt, %rem3A_308, %lt3A_313 : vector<16xi32>
      %lt3A_315 = arith.constant 0 : i32
      %lt3A_316 = arith.cmpi slt, %select_n3A_306, %lt3A_315 : i32
      %ne3A_317 = vector.broadcast %lt3A_316 : i1 to vector<16xi1>
      %ne3A_318 = vector.broadcast %ne3A_317 : vector<16xi1> to vector<16xi1>
      %ne3A_319 = arith.xori %lt3A_314, %ne3A_318 : vector<16xi1>
      %and3A_320 = arith.andi %ne3A_319, %ne3A_311 : vector<16xi1>
      %add3A_321 = vector.broadcast %select_n3A_306 : i32 to vector<16xi32>
      %add3A_322 = arith.addi %rem3A_308, %add3A_321 : vector<16xi32>
      %select_n3A_323 = arith.select %and3A_320, %add3A_322, %rem3A_308 : vector<16xi1>, vector<16xi32>
      %mul3A_324 = arith.constant 100000 : i32
      %mul3A_325 = vector.broadcast %mul3A_324 : i32 to vector<16xi32>
      %mul3A_326 = arith.muli %select_n3A_323, %mul3A_325 : vector<16xi32>
      %get3A_327 = arith.index_cast %scan3A_16 : i32 to index
      %get3A_328 = arith.constant 112 : index
      %get3A_329 = tpu.vector_load %arg5[%get3A_327, %get3A_328] {strides = array<i32>} : memref<104x128xi32, #tpu.memory_space<vmem>>, vector<1x16xi32>,
      %get3A_330 = vector.shape_cast %get3A_329 : vector<1x16xi32> to vector<16xi32>
      %add3A_331 = arith.addi %get3A_330, %mul3A_326 : vector<16xi32>
      %swap3A_332 = arith.index_cast %scan3A_16 : i32 to index
      %swap3A_333 = arith.constant 112 : index
      %swap3A_334 = tpu.vector_load %arg5[%swap3A_332, %swap3A_333] {strides = array<i32>} : memref<104x128xi32, #tpu.memory_space<vmem>>, vector<1x16xi32>,
      %swap3A_335 = vector.shape_cast %swap3A_334 : vector<1x16xi32> to vector<16xi32>
      %swap3A_336 = vector.shape_cast %add3A_331 : vector<16xi32> to vector<1x16xi32>
      tpu.vector_store %arg5[%swap3A_332, %swap3A_333], %swap3A_336 {strides = array<i32>} : memref<104x128xi32, #tpu.memory_space<vmem>>, vector<1x16xi32>,
      %scan3A_337 = arith.constant 0 : i32
      scf.yield %scan3A_337 : i32
    }
    %scan3A_8 = arith.constant 104 : i32
    %scan3A_9 = arith.constant 0 : i32
    %scan3A_10 = arith.constant 0 : i32
    %scan3A_11 = arith.constant 13 : i32
    %scan3A_12 = arith.addi %scan3A_10, %scan3A_11 : i32
    %scan3A_13 = arith.constant 1 : i32
    %scan3A_14 = scf.for %scan3A_16 = %scan3A_10 to %scan3A_12 step %scan3A_13 iter_args(%scan3A_17 = %scan3A_9) -> (i32)  : i32 {
      %mul3A_18 = arith.constant 8 : i32
      %mul3A_19 = arith.muli %scan3A_16, %mul3A_18 : i32
      %add3A_20 = arith.constant 0 : i32
      %add3A_21 = arith.addi %mul3A_19, %add3A_20 : i32
      %dma_start3A = arith.constant 0 : i32
      %dma_start3A_22 = arith.constant 0 : i32
      %dma_start3A_23 = tpu.memref_slice %arg6[%dma_start3A, %dma_start3A_22] : memref<1024x32xf32, #tpu.memory_space<vmem>> -> memref<128x32xf32, #tpu.memory_space<vmem>>
      %dma_start3A_24 = arith.constant 0 : i32
      %dma_start3A_25 = tpu.memref_slice %arg5[%add3A_21, %dma_start3A_24] : memref<104x128xi32, #tpu.memory_space<vmem>> -> memref<1x128xi32, #tpu.memory_space<vmem>>
      %dma_start3A_26 = tpu.memref_squeeze %dma_start3A_25 : memref<1x128xi32, #tpu.memory_space<vmem>> -> memref<128xi32, #tpu.memory_space<vmem>>
      %dma_start3A_27 = arith.constant 0 : i32
      %dma_start3A_28 = arith.constant 0 : i32
      %dma_start3A_29 = tpu.memref_slice %arg3[%dma_start3A_27, %dma_start3A_28] : memref<2600000x32xf32, #tpu.memory_space<hbm>> -> memref<2600000x32xf32, #tpu.memory_space<hbm>>
      tpu.enqueue_indirect_dma source(%dma_start3A_29 : memref<2600000x32xf32, #tpu.memory_space<hbm>>) target(%dma_start3A_23 : memref<128x32xf32, #tpu.memory_space<vmem>>) offsets(%dma_start3A_26 : memref<128xi32, #tpu.memory_space<vmem>>) semaphore(%arg7 : memref<!tpu.dma_semaphore, #tpu.memory_space<semaphore_mem>>)
      %mul3A_30 = arith.constant 8 : i32
      %mul3A_31 = arith.muli %scan3A_16, %mul3A_30 : i32
      %add3A_32 = arith.constant 1 : i32
      %add3A_33 = arith.addi %mul3A_31, %add3A_32 : i32
      %dma_start3A_34 = arith.constant 128 : i32
      %dma_start3A_35 = arith.constant 0 : i32
      %dma_start3A_36 = tpu.memref_slice %arg6[%dma_start3A_34, %dma_start3A_35] : memref<1024x32xf32, #tpu.memory_space<vmem>> -> memref<128x32xf32, #tpu.memory_space<vmem>>
      %dma_start3A_37 = arith.constant 0 : i32
      %dma_start3A_38 = tpu.memref_slice %arg5[%add3A_33, %dma_start3A_37] : memref<104x128xi32, #tpu.memory_space<vmem>> -> memref<1x128xi32, #tpu.memory_space<vmem>>
      %dma_start3A_39 = tpu.memref_squeeze %dma_start3A_38 : memref<1x128xi32, #tpu.memory_space<vmem>> -> memref<128xi32, #tpu.memory_space<vmem>>
      %dma_start3A_40 = arith.constant 0 : i32
      %dma_start3A_41 = arith.constant 0 : i32
      %dma_start3A_42 = tpu.memref_slice %arg3[%dma_start3A_40, %dma_start3A_41] : memref<2600000x32xf32, #tpu.memory_space<hbm>> -> memref<2600000x32xf32, #tpu.memory_space<hbm>>
      tpu.enqueue_indirect_dma source(%dma_start3A_42 : memref<2600000x32xf32, #tpu.memory_space<hbm>>) target(%dma_start3A_36 : memref<128x32xf32, #tpu.memory_space<vmem>>) offsets(%dma_start3A_39 : memref<128xi32, #tpu.memory_space<vmem>>) semaphore(%arg7 : memref<!tpu.dma_semaphore, #tpu.memory_space<semaphore_mem>>)
      %mul3A_43 = arith.constant 8 : i32
      %mul3A_44 = arith.muli %scan3A_16, %mul3A_43 : i32
      %add3A_45 = arith.constant 2 : i32
      %add3A_46 = arith.addi %mul3A_44, %add3A_45 : i32
      %dma_start3A_47 = arith.constant 256 : i32
      %dma_start3A_48 = arith.constant 0 : i32
      %dma_start3A_49 = tpu.memref_slice %arg6[%dma_start3A_47, %dma_start3A_48] : memref<1024x32xf32, #tpu.memory_space<vmem>> -> memref<128x32xf32, #tpu.memory_space<vmem>>
      %dma_start3A_50 = arith.constant 0 : i32
      %dma_start3A_51 = tpu.memref_slice %arg5[%add3A_46, %dma_start3A_50] : memref<104x128xi32, #tpu.memory_space<vmem>> -> memref<1x128xi32, #tpu.memory_space<vmem>>
      %dma_start3A_52 = tpu.memref_squeeze %dma_start3A_51 : memref<1x128xi32, #tpu.memory_space<vmem>> -> memref<128xi32, #tpu.memory_space<vmem>>
      %dma_start3A_53 = arith.constant 0 : i32
      %dma_start3A_54 = arith.constant 0 : i32
      %dma_start3A_55 = tpu.memref_slice %arg3[%dma_start3A_53, %dma_start3A_54] : memref<2600000x32xf32, #tpu.memory_space<hbm>> -> memref<2600000x32xf32, #tpu.memory_space<hbm>>
      tpu.enqueue_indirect_dma source(%dma_start3A_55 : memref<2600000x32xf32, #tpu.memory_space<hbm>>) target(%dma_start3A_49 : memref<128x32xf32, #tpu.memory_space<vmem>>) offsets(%dma_start3A_52 : memref<128xi32, #tpu.memory_space<vmem>>) semaphore(%arg7 : memref<!tpu.dma_semaphore, #tpu.memory_space<semaphore_mem>>)
      %mul3A_56 = arith.constant 8 : i32
      %mul3A_57 = arith.muli %scan3A_16, %mul3A_56 : i32
      %add3A_58 = arith.constant 3 : i32
      %add3A_59 = arith.addi %mul3A_57, %add3A_58 : i32
      %dma_start3A_60 = arith.constant 384 : i32
      %dma_start3A_61 = arith.constant 0 : i32
      %dma_start3A_62 = tpu.memref_slice %arg6[%dma_start3A_60, %dma_start3A_61] : memref<1024x32xf32, #tpu.memory_space<vmem>> -> memref<128x32xf32, #tpu.memory_space<vmem>>
      %dma_start3A_63 = arith.constant 0 : i32
      %dma_start3A_64 = tpu.memref_slice %arg5[%add3A_59, %dma_start3A_63] : memref<104x128xi32, #tpu.memory_space<vmem>> -> memref<1x128xi32, #tpu.memory_space<vmem>>
      %dma_start3A_65 = tpu.memref_squeeze %dma_start3A_64 : memref<1x128xi32, #tpu.memory_space<vmem>> -> memref<128xi32, #tpu.memory_space<vmem>>
      %dma_start3A_66 = arith.constant 0 : i32
      %dma_start3A_67 = arith.constant 0 : i32
      %dma_start3A_68 = tpu.memref_slice %arg3[%dma_start3A_66, %dma_start3A_67] : memref<2600000x32xf32, #tpu.memory_space<hbm>> -> memref<2600000x32xf32, #tpu.memory_space<hbm>>
      tpu.enqueue_indirect_dma source(%dma_start3A_68 : memref<2600000x32xf32, #tpu.memory_space<hbm>>) target(%dma_start3A_62 : memref<128x32xf32, #tpu.memory_space<vmem>>) offsets(%dma_start3A_65 : memref<128xi32, #tpu.memory_space<vmem>>) semaphore(%arg7 : memref<!tpu.dma_semaphore, #tpu.memory_space<semaphore_mem>>)
      %mul3A_69 = arith.constant 8 : i32
      %mul3A_70 = arith.muli %scan3A_16, %mul3A_69 : i32
      %add3A_71 = arith.constant 4 : i32
      %add3A_72 = arith.addi %mul3A_70, %add3A_71 : i32
      %dma_start3A_73 = arith.constant 512 : i32
      %dma_start3A_74 = arith.constant 0 : i32
      %dma_start3A_75 = tpu.memref_slice %arg6[%dma_start3A_73, %dma_start3A_74] : memref<1024x32xf32, #tpu.memory_space<vmem>> -> memref<128x32xf32, #tpu.memory_space<vmem>>
      %dma_start3A_76 = arith.constant 0 : i32
      %dma_start3A_77 = tpu.memref_slice %arg5[%add3A_72, %dma_start3A_76] : memref<104x128xi32, #tpu.memory_space<vmem>> -> memref<1x128xi32, #tpu.memory_space<vmem>>
      %dma_start3A_78 = tpu.memref_squeeze %dma_start3A_77 : memref<1x128xi32, #tpu.memory_space<vmem>> -> memref<128xi32, #tpu.memory_space<vmem>>
      %dma_start3A_79 = arith.constant 0 : i32
      %dma_start3A_80 = arith.constant 0 : i32
      %dma_start3A_81 = tpu.memref_slice %arg3[%dma_start3A_79, %dma_start3A_80] : memref<2600000x32xf32, #tpu.memory_space<hbm>> -> memref<2600000x32xf32, #tpu.memory_space<hbm>>
      tpu.enqueue_indirect_dma source(%dma_start3A_81 : memref<2600000x32xf32, #tpu.memory_space<hbm>>) target(%dma_start3A_75 : memref<128x32xf32, #tpu.memory_space<vmem>>) offsets(%dma_start3A_78 : memref<128xi32, #tpu.memory_space<vmem>>) semaphore(%arg7 : memref<!tpu.dma_semaphore, #tpu.memory_space<semaphore_mem>>)
      %mul3A_82 = arith.constant 8 : i32
      %mul3A_83 = arith.muli %scan3A_16, %mul3A_82 : i32
      %add3A_84 = arith.constant 5 : i32
      %add3A_85 = arith.addi %mul3A_83, %add3A_84 : i32
      %dma_start3A_86 = arith.constant 640 : i32
      %dma_start3A_87 = arith.constant 0 : i32
      %dma_start3A_88 = tpu.memref_slice %arg6[%dma_start3A_86, %dma_start3A_87] : memref<1024x32xf32, #tpu.memory_space<vmem>> -> memref<128x32xf32, #tpu.memory_space<vmem>>
      %dma_start3A_89 = arith.constant 0 : i32
      %dma_start3A_90 = tpu.memref_slice %arg5[%add3A_85, %dma_start3A_89] : memref<104x128xi32, #tpu.memory_space<vmem>> -> memref<1x128xi32, #tpu.memory_space<vmem>>
      %dma_start3A_91 = tpu.memref_squeeze %dma_start3A_90 : memref<1x128xi32, #tpu.memory_space<vmem>> -> memref<128xi32, #tpu.memory_space<vmem>>
      %dma_start3A_92 = arith.constant 0 : i32
      %dma_start3A_93 = arith.constant 0 : i32
      %dma_start3A_94 = tpu.memref_slice %arg3[%dma_start3A_92, %dma_start3A_93] : memref<2600000x32xf32, #tpu.memory_space<hbm>> -> memref<2600000x32xf32, #tpu.memory_space<hbm>>
      tpu.enqueue_indirect_dma source(%dma_start3A_94 : memref<2600000x32xf32, #tpu.memory_space<hbm>>) target(%dma_start3A_88 : memref<128x32xf32, #tpu.memory_space<vmem>>) offsets(%dma_start3A_91 : memref<128xi32, #tpu.memory_space<vmem>>) semaphore(%arg7 : memref<!tpu.dma_semaphore, #tpu.memory_space<semaphore_mem>>)
      %mul3A_95 = arith.constant 8 : i32
      %mul3A_96 = arith.muli %scan3A_16, %mul3A_95 : i32
      %add3A_97 = arith.constant 6 : i32
      %add3A_98 = arith.addi %mul3A_96, %add3A_97 : i32
      %dma_start3A_99 = arith.constant 768 : i32
      %dma_start3A_100 = arith.constant 0 : i32
      %dma_start3A_101 = tpu.memref_slice %arg6[%dma_start3A_99, %dma_start3A_100] : memref<1024x32xf32, #tpu.memory_space<vmem>> -> memref<128x32xf32, #tpu.memory_space<vmem>>
      %dma_start3A_102 = arith.constant 0 : i32
      %dma_start3A_103 = tpu.memref_slice %arg5[%add3A_98, %dma_start3A_102] : memref<104x128xi32, #tpu.memory_space<vmem>> -> memref<1x128xi32, #tpu.memory_space<vmem>>
      %dma_start3A_104 = tpu.memref_squeeze %dma_start3A_103 : memref<1x128xi32, #tpu.memory_space<vmem>> -> memref<128xi32, #tpu.memory_space<vmem>>
      %dma_start3A_105 = arith.constant 0 : i32
      %dma_start3A_106 = arith.constant 0 : i32
      %dma_start3A_107 = tpu.memref_slice %arg3[%dma_start3A_105, %dma_start3A_106] : memref<2600000x32xf32, #tpu.memory_space<hbm>> -> memref<2600000x32xf32, #tpu.memory_space<hbm>>
      tpu.enqueue_indirect_dma source(%dma_start3A_107 : memref<2600000x32xf32, #tpu.memory_space<hbm>>) target(%dma_start3A_101 : memref<128x32xf32, #tpu.memory_space<vmem>>) offsets(%dma_start3A_104 : memref<128xi32, #tpu.memory_space<vmem>>) semaphore(%arg7 : memref<!tpu.dma_semaphore, #tpu.memory_space<semaphore_mem>>)
      %mul3A_108 = arith.constant 8 : i32
      %mul3A_109 = arith.muli %scan3A_16, %mul3A_108 : i32
      %add3A_110 = arith.constant 7 : i32
      %add3A_111 = arith.addi %mul3A_109, %add3A_110 : i32
      %dma_start3A_112 = arith.constant 896 : i32
      %dma_start3A_113 = arith.constant 0 : i32
      %dma_start3A_114 = tpu.memref_slice %arg6[%dma_start3A_112, %dma_start3A_113] : memref<1024x32xf32, #tpu.memory_space<vmem>> -> memref<128x32xf32, #tpu.memory_space<vmem>>
      %dma_start3A_115 = arith.constant 0 : i32
      %dma_start3A_116 = tpu.memref_slice %arg5[%add3A_111, %dma_start3A_115] : memref<104x128xi32, #tpu.memory_space<vmem>> -> memref<1x128xi32, #tpu.memory_space<vmem>>
      %dma_start3A_117 = tpu.memref_squeeze %dma_start3A_116 : memref<1x128xi32, #tpu.memory_space<vmem>> -> memref<128xi32, #tpu.memory_space<vmem>>
      %dma_start3A_118 = arith.constant 0 : i32
      %dma_start3A_119 = arith.constant 0 : i32
      %dma_start3A_120 = tpu.memref_slice %arg3[%dma_start3A_118, %dma_start3A_119] : memref<2600000x32xf32, #tpu.memory_space<hbm>> -> memref<2600000x32xf32, #tpu.memory_space<hbm>>
      tpu.enqueue_indirect_dma source(%dma_start3A_120 : memref<2600000x32xf32, #tpu.memory_space<hbm>>) target(%dma_start3A_114 : memref<128x32xf32, #tpu.memory_space<vmem>>) offsets(%dma_start3A_117 : memref<128xi32, #tpu.memory_space<vmem>>) semaphore(%arg7 : memref<!tpu.dma_semaphore, #tpu.memory_space<semaphore_mem>>)
      %dma_wait3A = arith.constant 0 : i32
      %dma_wait3A_121 = arith.constant 0 : i32
      %dma_wait3A_122 = tpu.memref_slice %arg6[%dma_wait3A, %dma_wait3A_121] : memref<1024x32xf32, #tpu.memory_space<vmem>> -> memref<128x32xf32, #tpu.memory_space<vmem>>
      %dma_wait3A_123 = arith.constant 0 : i32
      %dma_wait3A_124 = tpu.memref_slice %arg5[%add3A_21, %dma_wait3A_123] : memref<104x128xi32, #tpu.memory_space<vmem>> -> memref<1x128xi32, #tpu.memory_space<vmem>>
      %dma_wait3A_125 = tpu.memref_squeeze %dma_wait3A_124 : memref<1x128xi32, #tpu.memory_space<vmem>> -> memref<128xi32, #tpu.memory_space<vmem>>
      %dma_wait3A_126 = arith.constant 0 : i32
      %dma_wait3A_127 = arith.constant 0 : i32
      %dma_wait3A_128 = tpu.memref_slice %arg3[%dma_wait3A_126, %dma_wait3A_127] : memref<2600000x32xf32, #tpu.memory_space<hbm>> -> memref<2600000x32xf32, #tpu.memory_space<hbm>>
      tpu.wait_indirect_dma semaphore(%arg7 : memref<!tpu.dma_semaphore, #tpu.memory_space<semaphore_mem>>) src(%dma_wait3A_128 : memref<2600000x32xf32, #tpu.memory_space<hbm>>) dst(%dma_wait3A_122 : memref<128x32xf32, #tpu.memory_space<vmem>>)
      %dma_wait3A_129 = arith.constant 128 : i32
      %dma_wait3A_130 = arith.constant 0 : i32
      %dma_wait3A_131 = tpu.memref_slice %arg6[%dma_wait3A_129, %dma_wait3A_130] : memref<1024x32xf32, #tpu.memory_space<vmem>> -> memref<128x32xf32, #tpu.memory_space<vmem>>
      %dma_wait3A_132 = arith.constant 0 : i32
      %dma_wait3A_133 = tpu.memref_slice %arg5[%add3A_33, %dma_wait3A_132] : memref<104x128xi32, #tpu.memory_space<vmem>> -> memref<1x128xi32, #tpu.memory_space<vmem>>
      %dma_wait3A_134 = tpu.memref_squeeze %dma_wait3A_133 : memref<1x128xi32, #tpu.memory_space<vmem>> -> memref<128xi32, #tpu.memory_space<vmem>>
      %dma_wait3A_135 = arith.constant 0 : i32
      %dma_wait3A_136 = arith.constant 0 : i32
      %dma_wait3A_137 = tpu.memref_slice %arg3[%dma_wait3A_135, %dma_wait3A_136] : memref<2600000x32xf32, #tpu.memory_space<hbm>> -> memref<2600000x32xf32, #tpu.memory_space<hbm>>
      tpu.wait_indirect_dma semaphore(%arg7 : memref<!tpu.dma_semaphore, #tpu.memory_space<semaphore_mem>>) src(%dma_wait3A_137 : memref<2600000x32xf32, #tpu.memory_space<hbm>>) dst(%dma_wait3A_131 : memref<128x32xf32, #tpu.memory_space<vmem>>)
      %dma_wait3A_138 = arith.constant 256 : i32
      %dma_wait3A_139 = arith.constant 0 : i32
      %dma_wait3A_140 = tpu.memref_slice %arg6[%dma_wait3A_138, %dma_wait3A_139] : memref<1024x32xf32, #tpu.memory_space<vmem>> -> memref<128x32xf32, #tpu.memory_space<vmem>>
      %dma_wait3A_141 = arith.constant 0 : i32
      %dma_wait3A_142 = tpu.memref_slice %arg5[%add3A_46, %dma_wait3A_141] : memref<104x128xi32, #tpu.memory_space<vmem>> -> memref<1x128xi32, #tpu.memory_space<vmem>>
      %dma_wait3A_143 = tpu.memref_squeeze %dma_wait3A_142 : memref<1x128xi32, #tpu.memory_space<vmem>> -> memref<128xi32, #tpu.memory_space<vmem>>
      %dma_wait3A_144 = arith.constant 0 : i32
      %dma_wait3A_145 = arith.constant 0 : i32
      %dma_wait3A_146 = tpu.memref_slice %arg3[%dma_wait3A_144, %dma_wait3A_145] : memref<2600000x32xf32, #tpu.memory_space<hbm>> -> memref<2600000x32xf32, #tpu.memory_space<hbm>>
      tpu.wait_indirect_dma semaphore(%arg7 : memref<!tpu.dma_semaphore, #tpu.memory_space<semaphore_mem>>) src(%dma_wait3A_146 : memref<2600000x32xf32, #tpu.memory_space<hbm>>) dst(%dma_wait3A_140 : memref<128x32xf32, #tpu.memory_space<vmem>>)
      %dma_wait3A_147 = arith.constant 384 : i32
      %dma_wait3A_148 = arith.constant 0 : i32
      %dma_wait3A_149 = tpu.memref_slice %arg6[%dma_wait3A_147, %dma_wait3A_148] : memref<1024x32xf32, #tpu.memory_space<vmem>> -> memref<128x32xf32, #tpu.memory_space<vmem>>
      %dma_wait3A_150 = arith.constant 0 : i32
      %dma_wait3A_151 = tpu.memref_slice %arg5[%add3A_59, %dma_wait3A_150] : memref<104x128xi32, #tpu.memory_space<vmem>> -> memref<1x128xi32, #tpu.memory_space<vmem>>
      %dma_wait3A_152 = tpu.memref_squeeze %dma_wait3A_151 : memref<1x128xi32, #tpu.memory_space<vmem>> -> memref<128xi32, #tpu.memory_space<vmem>>
      %dma_wait3A_153 = arith.constant 0 : i32
      %dma_wait3A_154 = arith.constant 0 : i32
      %dma_wait3A_155 = tpu.memref_slice %arg3[%dma_wait3A_153, %dma_wait3A_154] : memref<2600000x32xf32, #tpu.memory_space<hbm>> -> memref<2600000x32xf32, #tpu.memory_space<hbm>>
      tpu.wait_indirect_dma semaphore(%arg7 : memref<!tpu.dma_semaphore, #tpu.memory_space<semaphore_mem>>) src(%dma_wait3A_155 : memref<2600000x32xf32, #tpu.memory_space<hbm>>) dst(%dma_wait3A_149 : memref<128x32xf32, #tpu.memory_space<vmem>>)
      %dma_wait3A_156 = arith.constant 512 : i32
      %dma_wait3A_157 = arith.constant 0 : i32
      %dma_wait3A_158 = tpu.memref_slice %arg6[%dma_wait3A_156, %dma_wait3A_157] : memref<1024x32xf32, #tpu.memory_space<vmem>> -> memref<128x32xf32, #tpu.memory_space<vmem>>
      %dma_wait3A_159 = arith.constant 0 : i32
      %dma_wait3A_160 = tpu.memref_slice %arg5[%add3A_72, %dma_wait3A_159] : memref<104x128xi32, #tpu.memory_space<vmem>> -> memref<1x128xi32, #tpu.memory_space<vmem>>
      %dma_wait3A_161 = tpu.memref_squeeze %dma_wait3A_160 : memref<1x128xi32, #tpu.memory_space<vmem>> -> memref<128xi32, #tpu.memory_space<vmem>>
      %dma_wait3A_162 = arith.constant 0 : i32
      %dma_wait3A_163 = arith.constant 0 : i32
      %dma_wait3A_164 = tpu.memref_slice %arg3[%dma_wait3A_162, %dma_wait3A_163] : memref<2600000x32xf32, #tpu.memory_space<hbm>> -> memref<2600000x32xf32, #tpu.memory_space<hbm>>
      tpu.wait_indirect_dma semaphore(%arg7 : memref<!tpu.dma_semaphore, #tpu.memory_space<semaphore_mem>>) src(%dma_wait3A_164 : memref<2600000x32xf32, #tpu.memory_space<hbm>>) dst(%dma_wait3A_158 : memref<128x32xf32, #tpu.memory_space<vmem>>)
      %dma_wait3A_165 = arith.constant 640 : i32
      %dma_wait3A_166 = arith.constant 0 : i32
      %dma_wait3A_167 = tpu.memref_slice %arg6[%dma_wait3A_165, %dma_wait3A_166] : memref<1024x32xf32, #tpu.memory_space<vmem>> -> memref<128x32xf32, #tpu.memory_space<vmem>>
      %dma_wait3A_168 = arith.constant 0 : i32
      %dma_wait3A_169 = tpu.memref_slice %arg5[%add3A_85, %dma_wait3A_168] : memref<104x128xi32, #tpu.memory_space<vmem>> -> memref<1x128xi32, #tpu.memory_space<vmem>>
      %dma_wait3A_170 = tpu.memref_squeeze %dma_wait3A_169 : memref<1x128xi32, #tpu.memory_space<vmem>> -> memref<128xi32, #tpu.memory_space<vmem>>
      %dma_wait3A_171 = arith.constant 0 : i32
      %dma_wait3A_172 = arith.constant 0 : i32
      %dma_wait3A_173 = tpu.memref_slice %arg3[%dma_wait3A_171, %dma_wait3A_172] : memref<2600000x32xf32, #tpu.memory_space<hbm>> -> memref<2600000x32xf32, #tpu.memory_space<hbm>>
      tpu.wait_indirect_dma semaphore(%arg7 : memref<!tpu.dma_semaphore, #tpu.memory_space<semaphore_mem>>) src(%dma_wait3A_173 : memref<2600000x32xf32, #tpu.memory_space<hbm>>) dst(%dma_wait3A_167 : memref<128x32xf32, #tpu.memory_space<vmem>>)
      %dma_wait3A_174 = arith.constant 768 : i32
      %dma_wait3A_175 = arith.constant 0 : i32
      %dma_wait3A_176 = tpu.memref_slice %arg6[%dma_wait3A_174, %dma_wait3A_175] : memref<1024x32xf32, #tpu.memory_space<vmem>> -> memref<128x32xf32, #tpu.memory_space<vmem>>
      %dma_wait3A_177 = arith.constant 0 : i32
      %dma_wait3A_178 = tpu.memref_slice %arg5[%add3A_98, %dma_wait3A_177] : memref<104x128xi32, #tpu.memory_space<vmem>> -> memref<1x128xi32, #tpu.memory_space<vmem>>
      %dma_wait3A_179 = tpu.memref_squeeze %dma_wait3A_178 : memref<1x128xi32, #tpu.memory_space<vmem>> -> memref<128xi32, #tpu.memory_space<vmem>>
      %dma_wait3A_180 = arith.constant 0 : i32
      %dma_wait3A_181 = arith.constant 0 : i32
      %dma_wait3A_182 = tpu.memref_slice %arg3[%dma_wait3A_180, %dma_wait3A_181] : memref<2600000x32xf32, #tpu.memory_space<hbm>> -> memref<2600000x32xf32, #tpu.memory_space<hbm>>
      tpu.wait_indirect_dma semaphore(%arg7 : memref<!tpu.dma_semaphore, #tpu.memory_space<semaphore_mem>>) src(%dma_wait3A_182 : memref<2600000x32xf32, #tpu.memory_space<hbm>>) dst(%dma_wait3A_176 : memref<128x32xf32, #tpu.memory_space<vmem>>)
      %dma_wait3A_183 = arith.constant 896 : i32
      %dma_wait3A_184 = arith.constant 0 : i32
      %dma_wait3A_185 = tpu.memref_slice %arg6[%dma_wait3A_183, %dma_wait3A_184] : memref<1024x32xf32, #tpu.memory_space<vmem>> -> memref<128x32xf32, #tpu.memory_space<vmem>>
      %dma_wait3A_186 = arith.constant 0 : i32
      %dma_wait3A_187 = tpu.memref_slice %arg5[%add3A_111, %dma_wait3A_186] : memref<104x128xi32, #tpu.memory_space<vmem>> -> memref<1x128xi32, #tpu.memory_space<vmem>>
      %dma_wait3A_188 = tpu.memref_squeeze %dma_wait3A_187 : memref<1x128xi32, #tpu.memory_space<vmem>> -> memref<128xi32, #tpu.memory_space<vmem>>
      %dma_wait3A_189 = arith.constant 0 : i32
      %dma_wait3A_190 = arith.constant 0 : i32
      %dma_wait3A_191 = tpu.memref_slice %arg3[%dma_wait3A_189, %dma_wait3A_190] : memref<2600000x32xf32, #tpu.memory_space<hbm>> -> memref<2600000x32xf32, #tpu.memory_space<hbm>>
      tpu.wait_indirect_dma semaphore(%arg7 : memref<!tpu.dma_semaphore, #tpu.memory_space<semaphore_mem>>) src(%dma_wait3A_191 : memref<2600000x32xf32, #tpu.memory_space<hbm>>) dst(%dma_wait3A_185 : memref<128x32xf32, #tpu.memory_space<vmem>>)
      %mul3A_192 = arith.constant 13312 : i32
      %mul3A_193 = arith.muli %add3A, %mul3A_192 : i32
      %mul3A_194 = arith.constant 1024 : i32
      %mul3A_195 = arith.muli %scan3A_16, %mul3A_194 : i32
      %add3A_196 = arith.addi %mul3A_193, %mul3A_195 : i32
      "tpu.region"() ({
        %run_scoped3A = tpu.sem_alloc : memref<!tpu.dma_semaphore, #tpu.memory_space<semaphore_mem>>
        %dma_start3A_198 = arith.constant 0 : i32
        %dma_start3A_199 = tpu.memref_slice %arg4[%add3A_196, %dma_start3A_198] : memref<425984x32xf32, #tpu.memory_space<hbm>> -> memref<1024x32xf32, #tpu.memory_space<hbm>>
        %dma_start3A_200 = arith.constant 0 : i32
        %dma_start3A_201 = tpu.memref_slice %arg4[%add3A_196, %dma_start3A_200] : memref<425984x32xf32, #tpu.memory_space<hbm>> -> memref<1024x32xf32, #tpu.memory_space<hbm>>
        tpu.enqueue_dma source(%arg6 : memref<1024x32xf32, #tpu.memory_space<vmem>>) target(%dma_start3A_201 : memref<1024x32xf32, #tpu.memory_space<hbm>>) target_semaphore(%run_scoped3A : memref<!tpu.dma_semaphore, #tpu.memory_space<semaphore_mem>>)
        %dma_wait3A_202 = arith.constant 0 : i32
        %dma_wait3A_203 = tpu.memref_slice %arg4[%add3A_196, %dma_wait3A_202] : memref<425984x32xf32, #tpu.memory_space<hbm>> -> memref<1024x32xf32, #tpu.memory_space<hbm>>
        %dma_wait3A_204 = arith.constant 0 : i32
        %dma_wait3A_205 = tpu.memref_slice %arg4[%add3A_196, %dma_wait3A_204] : memref<425984x32xf32, #tpu.memory_space<hbm>> -> memref<1024x32xf32, #tpu.memory_space<hbm>>
        tpu.wait_dma2 semaphore(%run_scoped3A : memref<!tpu.dma_semaphore, #tpu.memory_space<semaphore_mem>>) src(%arg6 : memref<1024x32xf32, #tpu.memory_space<vmem>>) dst(%dma_wait3A_205 : memref<1024x32xf32, #tpu.memory_space<hbm>>)
        tpu.yield
      }) : () -> ()
      %scan3A_197 = arith.constant 0 : i32
      scf.yield %scan3A_197 : i32
    }
    %scan3A_15 = arith.constant 13 : i32
    return
  }
}

</mosaic_0001>

<sc_bundles>
// kernel: kernel.3.cloned.1.call-start
scs
__scs_entry_jumppad:
0x0: {  	(pc) =	sbr.rel $0x88, $3  }
0x1: {  	(tag) =	ssettag $0x0;
	lr =	simm.s32 $0x1  }
0x2: {  	[smem:$0x3F9F] =	sst lr;
	_ =	strace $0xD0000000  }
0x3: {  	_ = 	snop  }
0x4: {  	_ = 	snop  }
0x5: {  	_ = 	snop  }
0x6: {  	_ = 	snop  }
0x7: {  	_ = 	snop  }
__scs_overlays_trampoline_lowered:
0x8: {  	[smem:$0x3FAE] =	sst s0  }
0x9: {  	[smem:$0x3FAF] =	sst s1  }
0xa: {  	[smem:$0x3FB0] =	sst s2  }
0xb: {  	[smem:$0x3FB1] =	sst s3  }
0xc: {  	[smem:$0x3FB2] =	sst s4  }
0xd: {  	[smem:$0x3FB3] =	sst s5  }
0xe: {  	[smem:$0x3FB4] =	sst s6  }
0xf: {  	[smem:$0x3FB5] =	sst s7  }
0x10: {  	[smem:$0x3FB6] =	sst s8  }
0x11: {  	[smem:$0x3FB7] =	sst s9;
	s0 =	simm.s32 @!p0 $0x0  }
0x12: {  	s1 =	sld [smem:$0x3F9D];
	s0 =	simm.s32 @p0 $0x1  }
0x13: {  	[smem:$0x3FB8] =	sst s0;
	s0 =	simm.s32 @!p1 $0x0  }
0x14: {  	s2 =	sld [smem:$0x3F9C];
	s0 =	simm.s32 @p1 $0x1  }
0x15: {  	[smem:$0x3FB9] =	sst s0;
	s0 =	simm.s32 @!p2 $0x0  }
0x16: {  	s3 =	sld [smem:$0x3FDB];
	s0 =	simm.s32 @p2 $0x1  }
0x17: {  	s4 =	simm.s32 $0x1BF5;
	[smem:$0x3FBB] =	sst s0  }
0x18: {  	s0 =	sld [smem:$0x3F9E];
	_ =	swait.ge [sflag:s4], $0x0  }
0x19: {  	s7 =	sld [smem:$0x3F9F]  }
0x1a: {  	s8 =	sadd.s32 $0xFFFFE003, lr  }
0x1b: {  	s9 =	sadd.s32 $0xFFFFFEF7, lr;
	s5 =	simm.s32 $0xFFFFFFFF;
	p2 =	slt.u32 s8, $0xFFFFF086  }
0x1c: {  	p1 =	slt.u32 s9, $0xF7A;
	s5 =	simm.s32 @!p2 $0x0  }
0x1d: {  	s5 =	simm.s32 @p1 $0x1;
	p0 =	seq.s32 s7, s2  }
0x1e: {  	s7 =	smul.u32 @!p0 $0xF7A, s2;
	p2 =	seq.s32 @!p0 s5, $0x0  }
0x1f: {  	s9 =	smul.u32 $0xF7A, s1;
	s8 =	simm.s32 @!p0 $0x1BF5;
	p2 =	por !p2, p0  }
0x20: {  	[sflag:s8] =	ssyncset.s32 @!p0 $0xFFFFF086;
	s6 =	sadd.s32 @!p0 s3, s7;
	s7 =	simm.s32 @!p0 $0x108  }
0x21: {  	s3 =	sadd.s32 s3, s9;
	s6 =	sadd.s32 @!p0 $0x88, s6;
	s7 =	simm.s32 @p2 $0x1082  }
0x22: {  	[simem:s7], [sflag:s8] =	dma.local @!p0 [hbm:s6], $0xF7A  }
0x23: {  	s9 =	sor.u32 $0xD0000000, s2;
	s6 =	simm.s32 $0x108;
	_ =	swait.ge @!p0 [sflag:s8], $0x0  }
0x24: {  	s3 =	sadd.s32 $0x88, s3;
	s6 =	simm.s32 @!p1 $0x1082;
	[sflag:s4] =	ssyncset.s32 $0xFFFFF086  }
0x25: {  	[simem:s6], [sflag:s4] =	dma.local [hbm:s3], $0xF7A  }
0x26: {  	[smem:$0x3F9F] =	sst s1;
	(tag) =	ssettag s2;
	_ =	strace s9  }
0x27: {  	s1 =	sld [smem:$0x3FAF]  }
0x28: {  	s2 =	sld [smem:$0x3FB0]  }
0x29: {  	s4 =	sld [smem:$0x3FB2]  }
0x2a: {  	p0 =	seq.s32 s5, $0x0;
	s5 =	sld [smem:$0x3FB3]  }
0x2b: {  	s6 =	sld [smem:$0x3FB4]  }
0x2c: {  	s7 =	sld [smem:$0x3FB5]  }
0x2d: {  	s3 =	simm.s32 $0x108;
	s8 =	sld [smem:$0x3FB6]  }
0x2e: {  	s3 =	simm.s32 @!p0 $0x1082;
	s9 =	sld [smem:$0x3FB7]  }
0x2f: {  	lr =	sadd.s32 s0, s3;
	s0 =	sld [smem:$0x3FAE]  }
0x30: {  	s3 =	sld [smem:$0x3FB1]  }
0x31: {  	[smem:$0x3FBA] =	sst s10  }
0x32: {  	s10 =	sld [smem:$0x3FB8];
	_ =	sdelay $0x3  }
0x33: {  	p0 =	seq.s32 s10, $0x1;
	s10 =	sld [smem:$0x3FBA];
	_ =	sdelay $0x3  }
0x34: {  	[smem:$0x3FBA] =	sst s10  }
0x35: {  	s10 =	sld [smem:$0x3FB9];
	_ =	sdelay $0x3  }
0x36: {  	p1 =	seq.s32 s10, $0x1;
	s10 =	sld [smem:$0x3FBA];
	_ =	sdelay $0x3  }
0x37: {  	[smem:$0x3FBA] =	sst s10  }
0x38: {  	s10 =	sld [smem:$0x3FBB]  }
0x39: {  	_ = 	snop;
	(pc) =	sbr.ind lr, $3  }
0x3a: {  	_ = 	snop  }
0x3b: {  	_ = 	snop  }
0x3c: {  	p2 =	seq.s32 s10, $0x1;
	s10 =	sld [smem:$0x3FBA]  }
0x3d: {  	_ =	shalt  }
0x3e: {  	_ =	shalt  }
0x3f: {  	_ =	shalt  }
0x40: {  	_ =	shalt  }
0x41: {  	_ =	shalt  }
0x42: {  	_ =	shalt  }
0x43: {  	_ =	shalt  }
0x44: {  	_ =	shalt  }
0x45: {  	_ =	shalt  }
0x46: {  	_ =	shalt  }
0x47: {  	_ =	shalt  }
0x48: {  	_ =	shalt  }
0x49: {  	_ =	shalt  }
0x4a: {  	_ =	shalt  }
0x4b: {  	_ =	shalt  }
0x4c: {  	_ =	shalt  }
0x4d: {  	_ =	shalt  }
0x4e: {  	_ =	shalt  }
0x4f: {  	_ =	shalt  }
0x50: {  	_ =	shalt  }
0x51: {  	_ =	shalt  }
0x52: {  	_ =	shalt  }
0x53: {  	_ =	shalt  }
0x54: {  	_ =	shalt  }
0x55: {  	_ =	shalt  }
0x56: {  	_ =	shalt  }
0x57: {  	_ =	shalt  }
0x58: {  	_ =	shalt  }
0x59: {  	_ =	shalt  }
0x5a: {  	_ =	shalt  }
0x5b: {  	_ =	shalt  }
0x5c: {  	_ =	shalt  }
0x5d: {  	_ =	shalt  }
0x5e: {  	_ =	shalt  }
0x5f: {  	_ =	shalt  }
0x60: {  	_ =	shalt  }
0x61: {  	_ =	shalt  }
0x62: {  	_ =	shalt  }
0x63: {  	_ =	shalt  }
0x64: {  	_ =	shalt  }
0x65: {  	_ =	shalt  }
0x66: {  	_ =	shalt  }
0x67: {  	_ =	shalt  }
0x68: {  	_ =	shalt  }
0x69: {  	_ =	shalt  }
0x6a: {  	_ =	shalt  }
0x6b: {  	_ =	shalt  }
0x6c: {  	_ =	shalt  }
0x6d: {  	_ =	shalt  }
0x6e: {  	_ =	shalt  }
0x6f: {  	_ =	shalt  }
0x70: {  	_ =	shalt  }
0x71: {  	_ =	shalt  }
0x72: {  	_ =	shalt  }
0x73: {  	_ =	shalt  }
0x74: {  	_ =	shalt  }
0x75: {  	_ =	shalt  }
0x76: {  	_ =	shalt  }
0x77: {  	_ =	shalt  }
0x78: {  	_ =	shalt  }
0x79: {  	_ =	shalt  }
0x7a: {  	_ =	shalt  }
0x7b: {  	_ =	shalt  }
0x7c: {  	_ =	shalt  }
0x7d: {  	_ =	shalt  }
0x7e: {  	_ =	shalt  }
0x7f: {  	_ =	shalt  }
0x80: {  	_ =	shalt  }
0x81: {  	_ =	shalt  }
0x82: {  	_ =	shalt  }
0x83: {  	_ =	shalt  }
0x84: {  	_ =	shalt  }
0x85: {  	_ =	shalt  }
0x86: {  	_ =	shalt  }
0x87: {  	_ =	shalt  }
.Lfunc_end0:
.L_simem_size_0:
called_computation.1_lowered:
.L_overlay_start_0:
0x88: {  	s2 =	sld [smem:$0x3FD9]  }
0x89: {  	s3 =	sld [smem:$0x3FFE];
	_ =	sdelay $0x1  }
0x8a: {  	s1 =	srdreg.scid  }
0x8b: {  	s0 =	sand.u32 $0x1, s1  }
0x8c: {  	s17 =	sshll.u32 s0, $0xA;
	s2 =	sadd.s32 s3, s2  }
0x8d: {  	s2 =	sadd.s32 s2, s17  }
0x8e: {  	[smem:$0x3FC6] =	sst s2  }
0x8f: {  	_ = 	snop  }
0x90: {  	s2 =	sld [smem:$0x3FD0];
	(tm) =	ssettm $0x1  }
0x91: {  	s18 =	sld [smem:$0x3FFB];
	_ =	sdelay $0x3  }
0x92: {  	_ =	strace s18  }
0x93: {  	s3 =	sld [smem:$0x3FFC];
	_ =	sdelay $0x3  }
0x94: {  	_ =	strace s3  }
0x95: {  	s3 =	sld [smem:$0x3FFD];
	_ =	sdelay $0x3  }
0x96: {  	_ =	strace s3  }
0x97: {  	_ =	strace $0x8FFFFFFF  }
0x98: {  	s19 =	sld [smem:$0x3FDB];
	_ =	sdelay $0x1  }
0x99: {  	s4 =	simm.s32 $_scs_section_size  }
0x9a: {  	s5 =	simm.s32 $_size__tile_overlayer_lowered;
	s6 =	simm.s32 $_tile_overlayer_lowered  }
0x9b: {  	s22 =	simm.s32 $0x1BFF;
	s21 =	sshll.u32 s6, $0x1;
	s3 =	sadd.s32 s4, s19  }
0x9c: {  	s7 =	simm.s32 $0x0;
	s20 =	sshll.u32 s5, $0x1;
	s5 =	sadd.s32 s21, s3  }
0x9d: {  	[timem:s7], [sflag:s22] =	dma.local [hbm:s5], s20  }
0x9e: {  	_ =	swait.ge [sflag:s22], s20  }
0x9f: {  	s4 =	ssub.s32 $0x0, s20;
	[sflag:s22] =	ssyncset.done $0x0  }
0xa0: {  	[sflag:s22] =	ssyncadd.s32 s4;
	_ =	sdelay $0x1  }
0xa1: {  	s23 =	simm.s32 $0x1B8B  }
0xa2: {  	_ =	swait.ge [sflag:s23], $0x1  }
0xa3: {  	[sflag:s23] =	ssyncset.done $0x0  }
0xa4: {  	s25 =	simm.s32 $0x1B8E;
	s24 =	sld [smem:$0x3FFE];
	[sflag:s23] =	ssyncadd.s32 $0xFFFFFFFF  }
0xa5: {  	s26 =	simm.s32 $execute0_lowered;
	[smem:$0x3FD2] =	sst s25  }
0xa6: {  	s5 =	sshll.u32 s26, $0x1;
	_ =	strace $0x80000046;
	[dreg:$0x1] =	wrdreg $0xFFFFFFFF  }
0xa7: {  	s28 =	simm.s32 $_size_execute0_lowered;
	s3 =	sadd.s32 s3, s5;
	[dreg:$0x0] =	wrdreg $0x0  }
0xa8: {  	s5 =	sshll.u32 s28, $0x1;
	[dreg:$0x2] =	wrdreg s3  }
0xa9: {  	[dreg:$0x3] =	wrdreg s5  }
0xaa: {  	[dreg:$0x4] =	wrdreg $0xC0  }
0xab: {  	_ =	task [dreg:s7], $0x5FFFF  }
0xac: {  	[dreg:$0x1] =	wrdreg $0xFFFFFFFF  }
0xad: {  	[dreg:$0x0] =	wrdreg $0x60  }
0xae: {  	[dreg:$0x2] =	wrdreg s24  }
0xaf: {  	[dreg:$0x3] =	wrdreg s2  }
0xb0: {  	[dreg:$0x4] =	wrdreg $0x9  }
0xb1: {  	_ =	task.clear_ibuf [dreg:s7], $0x5FFFF;
	_ =	strace $0x90000046  }
0xb2: {  	s29 =	simm.s32 $0x9;
	_ =	strace $0x80000048  }
0xb3: {  	_ =	swait.ge [sflag:s29], $0x1  }
0xb4: {  	[sflag:s29] =	ssyncadd.s32 $0xFFFFFFFF  }
0xb5: {  	_ =	strace $0x90000048  }
0xb6: {  	_ =	sfence  }
0xb7: {  	s30 =	sld [smem:$0x0];
	_ =	sdelay $0x2  }
0xb8: {  	s31 =	sshll.u32 s1, $0xD;
	s1 =	sshrl.u32 s1, $0x2  }
0xb9: {  	s3 =	sand.u32 $0x4000, s31;
	s1 =	sadd.s32 s1, s30  }
0xba: {  	s0 =	sor.u32 s3, s0;
	s1 =	sshll.u32 s1, $0x11  }
0xbb: {  	s0 =	sor.u32 s1, s0  }
0xbc: {  	s0 =	sadd.s32 $0x8F2B, s0  }
0xbd: {  	[sflag:s0] =	ssyncadd.remote.s32 $0x1  }
0xbe: {  	_ =	sfence.sel $0xFFFF  }
0xbf: {  	[dreg:$0x0] =	wrdreg $0xFFFFFFFF;
	(pc) =	sbr.abs _section_cstart, $3  }
0xc0: {  	[dreg:$0x1] =	wrdreg $0xFFFFFFFF  }
0xc1: {  	_ =	task.clear_ibuf [dreg:s7], $0x2FFFF;
	_ =	strace $0x9FFFFFFF  }
0xc2: {  	(tm) =	ssettm $0x7FFFFFFF  }
0xc3: {  	_ =	shalt  }
tec
execute0_lowered:
.L_overlay_start_1:
0x0: {  	(tag) =	ssettag $0x1  }
0x1: {  	s1 =	srdreg.scid  }
0x2: {  	s0 =	stileid.u32;
	s4 =	rddreg [dreg:$0x0]  }
0x3: {  	s6 =	rddreg [dreg:$0x1];
	s2 =	simm.s32 $0x0;
	s11 =	simm.s32 $0x5400  }
0x4: {  	s12 =	simm.s32 $0x6400;
	s13 =	simm.s32 $0x7400;
	s14 =	simm.s32 $0x8400  }
0x5: {  	s15 =	simm.s32 $0x9400;
	s16 =	simm.s32 $0xA400;
	s17 =	simm.s32 $0x1  }
0x6: {  	s18 =	simm.s32 $0x0;
	s3 =	sand.u32 $0x1, s1;
	s30 =	sshll.u32 s0, $0x1  }
0x7: {  	s7 =	smul.u32 $0xD0000, s0;
	[smem:$0x7FF] =	sst s2;
	s1 =	sor.u32 s3, s30  }
0x8: {  	s8 =	smul.u32 $0x68000, s3;
	s9 =	ssub.s32 $0x2, s3;
	s3 =	sadd.s32 $0x27ACE00, s4  }
0x9: {  	s5 =	smul.u32 $0x680, s1;
	s1 =	rddreg [dreg:$0x2];
	s10 =	sshrl.u32 s9, $0x1  }
0xa: {  	_ =	strace $0x80000047;
	s7 =	sadd.s32 s8, s7;
	s31 =	ssub.s32 s9, s10  }
0xb: {  	s8 =	simm.s32 $0x80;
	s9 =	simm.s32 $0x3400;
	s5 =	sadd.s32 s5, s4  }
0xc: {  	s10 =	simm.s32 $0x4400;
	s7 =	sshrl.u32 s7, $0x3;
	s4 =	sadd.s32 $0xA00, s5  }
0xd: {  	v0 =	vlaneseq.u32;
	s5 =	smax.u32 s31, $0x1;
	s6 =	sadd.s32 s7, s6;
	s7 =	simm.s32 $0x2  }
.LBB2_1:
0xe: {  	s19 =	simm.s32 $0x0  }
0xf: {  	s20 =	simm.s32 $0x20;
	v2 =	vor.u32 s19, v0  }
0x10: {  	s26 =	simm.s32 $0x10;
	v3 =	vor.u32 s20, v0;
	v4 =	vmulhi.u32 $0x4EC4EC4F, v2  }
0x11: {  	s29 =	simm.s32 $0x40;
	v5 =	vor.u32 s26, v0;
	v6 =	vmulhi.u32 $0x4EC4EC4F, v3  }
0x12: {  	s28 =	simm.s32 $0x30;
	v9 =	vor.u32 s29, v0;
	v8 =	vmulhi.u32 $0x4EC4EC4F, v5  }
0x13: {  	s31 =	simm.s32 $0x70;
	v7 =	vor.u32 s28, v0;
	v10 =	vmulhi.u32 $0x4EC4EC4F, v9  }
0x14: {  	s21 =	simm.s32 $0x50;
	s30 =	simm.s32 $0x60;
	v13 =	vor.u32 s31, v0;
	v12 =	vmulhi.u32 $0x4EC4EC4F, v7  }
0x15: {  	[tilespmem:s2], [sflag:$0x2] =	stream.linear.gather [hbm4b:s4+s2], $0x3400, $0x38;
	v11 =	vor.u32 s21, v0;
	v1 =	vor.u32 s30, v0;
	v14 =	vmulhi.u32 $0x4EC4EC4F, v13;
	[tilespmem:$0xB400] =	vst v63  }
0x16: {  	_ =	swait.ge [sflag:s7], $0x3400;
	v15 =	vmulhi.u32 $0x4EC4EC4F, v11;
	v6 =	vshrl.u32 v6, $0x3;
	v8 =	vshrl.u32 v8, $0x3  }
0x17: {  	[sflag:s7] =	ssyncset.done $0x0;
	v10 =	vshrl.u32 v10, $0x3;
	v12 =	vshrl.u32 v12, $0x3;
	v4 =	vshrl.u32 v4, $0x3  }
0x18: {  	s19 =	simm.s32 $0x40;
	[sflag:s7] =	ssyncadd.s32 $0xFFFFCC00;
	v6 =	vmul.u32 $0x1A, v6;
	v12 =	vmul.u32 $0x1A, v12;
	v4 =	vmul.u32 $0x1A, v4  }
0x19: {  	v16 =	vld [tilespmem:s19+$0xFFFFFFC0];
	v8 =	vmul.u32 $0x1A, v8;
	v17 =	vmul.u32 $0x1A, v10;
	v10 =	vshrl.u32 v14, $0x3  }
0x1a: {  	v62 =	vld [tilespmem:s19+$0x30];
	v12 =	vsub.s32 v7, v12;
	v7 =	vmul.u32 $0x1A, v10;
	v2 =	vsub.s32 v2, v4  }
0x1b: {  	v4 =	vshrl.u32 v15, $0x3;
	v5 =	vsub.s32 v5, v8;
	v6 =	vsub.s32 v3, v6  }
0x1c: {  	v8 =	vmulhi.u32 $0x4EC4EC4F, v1;
	v2 =	vmul.u32 $0x186A0, v2;
	v3 =	vsub.s32 v13, v7;
	v7 =	vld [tilespmem:s19+$0xFFFFFFF0]  }
0x1d: {  	v9 =	vsub.s32 v9, v17;
	v4 =	vmul.u32 $0x1A, v4;
	v13 =	vmul.u32 $0x186A0, v3  }
0x1e: {  	v10 =	vmul.u32 $0x186A0, v12;
	v8 =	vshrl.u32 v8, $0x3;
	v63 =	vadd.s32 v2, v16;
	v3 =	vld [tilespmem:s19+$0x0]  }
0x1f: {  	s20 =	simm.s32 $0xF0;
	s21 =	simm.s32 $0xC0;
	v2 =	vmul.u32 $0x186A0, v5;
	v5 =	vld [tilespmem:s19+$0xFFFFFFE0];
	v4 =	vsub.s32 v11, v4;
	[tilespmem:s19+$0xFFFFFFC0] =	vst v63;
	v11 =	vadd.s32 v13, v62  }
.LBB2_2:
0x20: {  	s22 =	sadd.s32 $0xFFFFFF90, s20  }
0x21: {  	s23 =	sadd.s32 $0xFFFFFFA0, s20;
	s24 =	sadd.s32 $0xFFFFFFB0, s20;
	v6 =	vmul.u32 $0x186A0, v6;
	v7 =	vadd.s32 v10, v7;
	v8 =	vmul.u32 $0x1A, v8;
	[tilespmem:s19+$0x30] =	vst v11;
	s25 =	smov.u32 s20  }
0x22: {  	s26 =	sadd.s32 $0xFFFFFFE0, s20;
	v10 =	vor.u32 s22, v0;
	v11 =	vor.u32 s23, v0;
	s22 =	sadd.s32 $0xFFFFFFC0, s20;
	s23 =	sadd.s32 $0xFFFFFFD0, s20;
	v12 =	vld [tilespmem:s19+$0xFFFFFFD0];
	[tilespmem:s19+$0xFFFFFFF0] =	vst v7;
	v7 =	vmul.u32 $0x186A0, v9  }
0x23: {  	p0 =	sne.s32 s20, $0x33F0;
	s20 =	sadd.s32 $0x80, s20;
	v9 =	vor.u32 s22, v0;
	v13 =	vor.u32 s23, v0;
	s22 =	sadd.s32 $0xFFFFFFF0, s25;
	v8 =	vsub.s32 v1, v8;
	v14 =	vld [tilespmem:s19+$0x20]  }
0x24: {  	v15 =	vor.u32 s24, v0;
	v16 =	vor.u32 s26, v0;
	v1 =	vor.u32 s22, v0  }
0x25: {  	v17 =	vmulhi.u32 $0x4EC4EC4F, v10;
	v3 =	vadd.s32 v7, v3;
	v5 =	vadd.s32 v6, v5  }
0x26: {  	v7 =	vmul.u32 $0x186A0, v8;
	v6 =	vmulhi.u32 $0x4EC4EC4F, v15;
	[tilespmem:s19+$0x0] =	vst v3;
	v3 =	vmul.u32 $0x186A0, v4;
	v4 =	vld [tilespmem:s19+$0x10]  }
0x27: {  	v8 =	vmulhi.u32 $0x4EC4EC4F, v11;
	v2 =	vadd.s32 v2, v12;
	[tilespmem:s19+$0xFFFFFFE0] =	vst v5  }
0x28: {  	v5 =	vshrl.u32 v6, $0x3;
	v6 =	vmulhi.u32 $0x4EC4EC4F, v13;
	[tilespmem:s19+$0xFFFFFFD0] =	vst v2;
	v2 =	vadd.s32 v7, v14  }
0x29: {  	v7 =	vshrl.u32 v8, $0x3;
	v5 =	vmul.u32 $0x1A, v5;
	v8 =	vmulhi.u32 $0x4EC4EC4F, v9;
	[tilespmem:s19+$0x20] =	vst v2  }
0x2a: {  	v12 =	vor.u32 s25, v0;
	v2 =	vshrl.u32 v6, $0x3;
	v6 =	vmulhi.u32 $0x4EC4EC4F, v16  }
0x2b: {  	v14 =	vmulhi.u32 $0x4EC4EC4F, v12;
	v7 =	vmul.u32 $0x1A, v7;
	v8 =	vshrl.u32 v8, $0x3  }
0x2c: {  	v17 =	vshrl.u32 v17, $0x3;
	v8 =	vmul.u32 $0x1A, v8;
	v3 =	vadd.s32 v3, v4  }
0x2d: {  	v18 =	vmul.u32 $0x1A, v2;
	v2 =	vshrl.u32 v14, $0x3;
	v4 =	vmul.u32 $0x1A, v17;
	v17 =	vld [tilespmem:s21+$0xFFFFFFC0];
	[tilespmem:s19+$0x10] =	vst v3;
	s19 =	smov.u32 s21  }
0x2e: {  	v2 =	vmul.u32 $0x1A, v2;
	v3 =	vsub.s32 v9, v8;
	v8 =	vshrl.u32 v6, $0x3;
	v14 =	vld [tilespmem:s21+$0x30]  }
.Ltmp0:
0x2f: {  	v4 =	vsub.s32 v10, v4;
	v9 =	vsub.s32 v11, v7;
	v6 =	vsub.s32 v15, v5;
	v7 =	vld [tilespmem:s21+$0xFFFFFFF0];
	(pc) =	sbr.rel @p0 .LBB2_2-.Ltmp0, $4  }
0x30: {  	v5 =	vmulhi.u32 $0x4EC4EC4F, v1;
	v10 =	vsub.s32 v12, v2;
	v4 =	vmul.u32 $0x186A0, v4  }
0x31: {  	v2 =	vmul.u32 $0x186A0, v9;
	v11 =	vmul.u32 $0x1A, v8;
	v12 =	vmul.u32 $0x186A0, v10  }
0x32: {  	v10 =	vmul.u32 $0x186A0, v3;
	v8 =	vshrl.u32 v5, $0x3;
	v4 =	vadd.s32 v4, v17;
	v3 =	vld [tilespmem:s21+$0x0]  }
0x33: {  	v9 =	vsub.s32 v13, v18;
	s21 =	sadd.s32 $0x80, s21;
	[tilespmem:s19+$0xFFFFFFC0] =	vst v4;
	v5 =	vld [tilespmem:s19+$0xFFFFFFE0];
	v4 =	vsub.s32 v16, v11;
	v11 =	vadd.s32 v12, v14  }
0x34: {  	v61 =	vld [tilespmem:s19+$0xFFFFFFD0]  }
0x35: {  	v62 =	vld [tilespmem:s19+$0x20];
	v8 =	vmul.u32 $0x1A, v8  }
0x36: {  	v9 =	vmul.u32 $0x186A0, v9  }
0x37: {  	v7 =	vadd.s32 v10, v7;
	[tilespmem:s19+$0x30] =	vst v11;
	v63 =	vld [tilespmem:s19+$0x10];
	v1 =	vsub.s32 v1, v8  }
0x38: {  	[tilespmem:s19+$0xFFFFFFF0] =	vst v7;
	v3 =	vadd.s32 v9, v3;
	v1 =	vmul.u32 $0x186A0, v1  }
0x39: {  	[tilespmem:s19+$0x0] =	vst v3;
	v3 =	vmul.u32 $0x186A0, v6;
	v2 =	vadd.s32 v2, v61  }
0x3a: {  	v4 =	vmul.u32 $0x186A0, v4;
	v1 =	vadd.s32 v1, v62;
	[tilespmem:s19+$0xFFFFFFD0] =	vst v2  }
0x3b: {  	v3 =	vadd.s32 v3, v5;
	[tilespmem:s19+$0x20] =	vst v1  }
0x3c: {  	v1 =	vadd.s32 v4, v63;
	[tilespmem:s19+$0xFFFFFFE0] =	vst v3  }
0x3d: {  	s22 =	simm.s32 $0x0;
	[tilespmem:s19+$0x10] =	vst v1  }
0x3e: {  	[tilespmem:s9], [sflag:$0x1] =	stream.indirect.gather [hbm4b:s3+s8], $0x20, s22, s8, $0xb8;
	[tilespmem:$0xB400] =	vst v63  }
0x3f: {  	s23 =	simm.s32 $0x80  }
0x40: {  	[tilespmem:s10], [sflag:$0x1] =	stream.indirect.gather [hbm4b:s3+s8], $0x20, s23, s8, $0xb8;
	[tilespmem:$0xB400] =	vst v63  }
0x41: {  	s24 =	simm.s32 $0x100  }
0x42: {  	[tilespmem:s11], [sflag:$0x1] =	stream.indirect.gather [hbm4b:s3+s8], $0x20, s24, s8, $0xb8;
	[tilespmem:$0xB400] =	vst v63  }
0x43: {  	s25 =	simm.s32 $0x180  }
0x44: {  	[tilespmem:s12], [sflag:$0x1] =	stream.indirect.gather [hbm4b:s3+s8], $0x20, s25, s8, $0xb8;
	[tilespmem:$0xB400] =	vst v63  }
0x45: {  	s26 =	simm.s32 $0x200  }
0x46: {  	[tilespmem:s13], [sflag:$0x1] =	stream.indirect.gather [hbm4b:s3+s8], $0x20, s26, s8, $0xb8;
	[tilespmem:$0xB400] =	vst v63  }
0x47: {  	s28 =	simm.s32 $0x280  }
0x48: {  	[tilespmem:s14], [sflag:$0x1] =	stream.indirect.gather [hbm4b:s3+s8], $0x20, s28, s8, $0xb8;
	[tilespmem:$0xB400] =	vst v63  }
0x49: {  	s29 =	simm.s32 $0x300  }
0x4a: {  	[tilespmem:s15], [sflag:$0x1] =	stream.indirect.gather [hbm4b:s3+s8], $0x20, s29, s8, $0xb8;
	[tilespmem:$0xB400] =	vst v63  }
0x4b: {  	s30 =	simm.s32 $0x380  }
0x4c: {  	[tilespmem:s16], [sflag:$0x1] =	stream.indirect.gather [hbm4b:s3+s8], $0x20, s30, s8, $0xb8;
	[tilespmem:$0xB400] =	vst v63  }
0x4d: {  	_ =	swait.ge [sflag:s17], $0x1000  }
0x4e: {  	[sflag:s17] =	ssyncset.done $0x0  }
0x4f: {  	[sflag:s17] =	ssyncadd.s32 $0xFFFFF000  }
0x50: {  	_ =	swait.ge [sflag:s17], $0x1000  }
0x51: {  	[sflag:s17] =	ssyncset.done $0x0  }
0x52: {  	[sflag:s17] =	ssyncadd.s32 $0xFFFFF000  }
0x53: {  	_ =	swait.ge [sflag:s17], $0x1000  }
0x54: {  	[sflag:s17] =	ssyncset.done $0x0  }
0x55: {  	[sflag:s17] =	ssyncadd.s32 $0xFFFFF000  }
0x56: {  	_ =	swait.ge [sflag:s17], $0x1000  }
0x57: {  	[sflag:s17] =	ssyncset.done $0x0  }
0x58: {  	[sflag:s17] =	ssyncadd.s32 $0xFFFFF000  }
0x59: {  	_ =	swait.ge [sflag:s17], $0x1000  }
0x5a: {  	[sflag:s17] =	ssyncset.done $0x0  }
0x5b: {  	[sflag:s17] =	ssyncadd.s32 $0xFFFFF000  }
0x5c: {  	_ =	swait.ge [sflag:s17], $0x1000  }
0x5d: {  	[sflag:s17] =	ssyncset.done $0x0  }
0x5e: {  	[sflag:s17] =	ssyncadd.s32 $0xFFFFF000  }
0x5f: {  	_ =	swait.ge [sflag:s17], $0x1000  }
0x60: {  	[sflag:s17] =	ssyncset.done $0x0  }
0x61: {  	[sflag:s17] =	ssyncadd.s32 $0xFFFFF000  }
0x62: {  	_ =	swait.ge [sflag:s17], $0x1000  }
0x63: {  	[sflag:s17] =	ssyncset.done $0x0  }
0x64: {  	s31 =	sadd.s32 $0x0, s6;
	[sflag:s17] =	ssyncadd.s32 $0xFFFFF000  }
0x65: {  	[hbm4b:s31+s2] =	stream.linear.scatter [tilespmem:s9], [sflag:$0x2], $0x8000, $0x38;
	[tilespmem:$0xB400] =	vst v63  }
0x66: {  	_ =	swait.ge [sflag:s7], $0x8000  }
0x67: {  	s19 =	simm.s32 $0x1000;
	s22 =	simm.s32 $0x2000;
	[sflag:s7] =	ssyncset.done $0x0  }
.LBB2_4:
0x68: {  	s23 =	sshra.s32 s19, $0x2  }
0x69: {  	[sflag:s7] =	ssyncadd.s32 $0xFFFF8000;
	s21 =	smov.u32 s22;
	s20 =	sadd.s32 $0x1000, s22  }
0x6a: {  	[tilespmem:s9], [sflag:$0x1] =	stream.indirect.gather [hbm4b:s3+s8], $0x20, s23, s8, $0xb8;
	[tilespmem:$0xB400] =	vst v63  }
0x6b: {  	p0 =	sne.s32 s22, $0xC000;
	s22 =	sadd.s32 $0x80, s23  }
0x6c: {  	[tilespmem:s10], [sflag:$0x1] =	stream.indirect.gather [hbm4b:s3+s8], $0x20, s22, s8, $0xb8;
	[tilespmem:$0xB400] =	vst v63  }
0x6d: {  	s22 =	sadd.s32 $0x100, s23  }
0x6e: {  	[tilespmem:s11], [sflag:$0x1] =	stream.indirect.gather [hbm4b:s3+s8], $0x20, s22, s8, $0xb8;
	[tilespmem:$0xB400] =	vst v63  }
0x6f: {  	s22 =	sadd.s32 $0x180, s23  }
0x70: {  	[tilespmem:s12], [sflag:$0x1] =	stream.indirect.gather [hbm4b:s3+s8], $0x20, s22, s8, $0xb8;
	[tilespmem:$0xB400] =	vst v63  }
0x71: {  	s22 =	sadd.s32 $0x200, s23  }
0x72: {  	[tilespmem:s13], [sflag:$0x1] =	stream.indirect.gather [hbm4b:s3+s8], $0x20, s22, s8, $0xb8;
	[tilespmem:$0xB400] =	vst v63  }
0x73: {  	s22 =	sadd.s32 $0x280, s23  }
0x74: {  	[tilespmem:s14], [sflag:$0x1] =	stream.indirect.gather [hbm4b:s3+s8], $0x20, s22, s8, $0xb8;
	[tilespmem:$0xB400] =	vst v63  }
0x75: {  	s22 =	sadd.s32 $0x300, s23  }
0x76: {  	[tilespmem:s15], [sflag:$0x1] =	stream.indirect.gather [hbm4b:s3+s8], $0x20, s22, s8, $0xb8;
	[tilespmem:$0xB400] =	vst v63  }
0x77: {  	s22 =	sadd.s32 $0x380, s23  }
0x78: {  	[tilespmem:s16], [sflag:$0x1] =	stream.indirect.gather [hbm4b:s3+s8], $0x20, s22, s8, $0xb8;
	[tilespmem:$0xB400] =	vst v63  }
0x79: {  	_ =	swait.ge [sflag:s17], $0x1000  }
0x7a: {  	[sflag:s17] =	ssyncset.done $0x0  }
0x7b: {  	[sflag:s17] =	ssyncadd.s32 $0xFFFFF000  }
0x7c: {  	_ =	swait.ge [sflag:s17], $0x1000  }
0x7d: {  	[sflag:s17] =	ssyncset.done $0x0  }
0x7e: {  	[sflag:s17] =	ssyncadd.s32 $0xFFFFF000  }
0x7f: {  	_ =	swait.ge [sflag:s17], $0x1000  }
0x80: {  	[sflag:s17] =	ssyncset.done $0x0  }
0x81: {  	[sflag:s17] =	ssyncadd.s32 $0xFFFFF000  }
0x82: {  	_ =	swait.ge [sflag:s17], $0x1000  }
0x83: {  	[sflag:s17] =	ssyncset.done $0x0  }
0x84: {  	[sflag:s17] =	ssyncadd.s32 $0xFFFFF000  }
0x85: {  	_ =	swait.ge [sflag:s17], $0x1000  }
0x86: {  	[sflag:s17] =	ssyncset.done $0x0  }
0x87: {  	[sflag:s17] =	ssyncadd.s32 $0xFFFFF000  }
0x88: {  	_ =	swait.ge [sflag:s17], $0x1000  }
0x89: {  	[sflag:s17] =	ssyncset.done $0x0  }
0x8a: {  	[sflag:s17] =	ssyncadd.s32 $0xFFFFF000  }
0x8b: {  	_ =	swait.ge [sflag:s17], $0x1000  }
0x8c: {  	[sflag:s17] =	ssyncset.done $0x0  }
0x8d: {  	[sflag:s17] =	ssyncadd.s32 $0xFFFFF000  }
0x8e: {  	_ =	swait.ge [sflag:s17], $0x1000  }
.Ltmp1:
0x8f: {  	[sflag:s17] =	ssyncset.done $0x0;
	(pc) =	sbr.rel @p0 .LBB2_4-.Ltmp1, $4  }
0x90: {  	s22 =	sadd.s32 s19, s6;
	s19 =	smov.u32 s21;
	[sflag:s17] =	ssyncadd.s32 $0xFFFFF000  }
0x91: {  	[hbm4b:s22+s2] =	stream.linear.scatter [tilespmem:s9], [sflag:$0x2], $0x8000, $0x38;
	[tilespmem:$0xB400] =	vst v63  }
0x92: {  	_ =	swait.ge [sflag:s7], $0x8000  }
0x93: {  	s22 =	smov.u32 s20;
	[sflag:s7] =	ssyncset.done $0x0  }
0x94: {  	s20 =	sshra.s32 s19, $0x2;
	[sflag:s7] =	ssyncadd.s32 $0xFFFF8000  }
0x95: {  	[tilespmem:s9], [sflag:$0x1] =	stream.indirect.gather [hbm4b:s3+s8], $0x20, s20, s8, $0xb8;
	[tilespmem:$0xB400] =	vst v63  }
0x96: {  	s21 =	sadd.s32 $0x80, s20  }
0x97: {  	[tilespmem:s10], [sflag:$0x1] =	stream.indirect.gather [hbm4b:s3+s8], $0x20, s21, s8, $0xb8;
	[tilespmem:$0xB400] =	vst v63  }
0x98: {  	s25 =	sadd.s32 $0x100, s20  }
0x99: {  	[tilespmem:s11], [sflag:$0x1] =	stream.indirect.gather [hbm4b:s3+s8], $0x20, s25, s8, $0xb8;
	[tilespmem:$0xB400] =	vst v63  }
0x9a: {  	s26 =	sadd.s32 $0x180, s20  }
0x9b: {  	[tilespmem:s12], [sflag:$0x1] =	stream.indirect.gather [hbm4b:s3+s8], $0x20, s26, s8, $0xb8;
	[tilespmem:$0xB400] =	vst v63  }
0x9c: {  	s28 =	sadd.s32 $0x200, s20  }
0x9d: {  	[tilespmem:s13], [sflag:$0x1] =	stream.indirect.gather [hbm4b:s3+s8], $0x20, s28, s8, $0xb8;
	[tilespmem:$0xB400] =	vst v63  }
0x9e: {  	s29 =	sadd.s32 $0x280, s20  }
0x9f: {  	[tilespmem:s14], [sflag:$0x1] =	stream.indirect.gather [hbm4b:s3+s8], $0x20, s29, s8, $0xb8;
	[tilespmem:$0xB400] =	vst v63  }
0xa0: {  	s30 =	sadd.s32 $0x300, s20  }
0xa1: {  	[tilespmem:s15], [sflag:$0x1] =	stream.indirect.gather [hbm4b:s3+s8], $0x20, s30, s8, $0xb8;
	[tilespmem:$0xB400] =	vst v63  }
0xa2: {  	s20 =	sadd.s32 $0x380, s20  }
0xa3: {  	[tilespmem:s16], [sflag:$0x1] =	stream.indirect.gather [hbm4b:s3+s8], $0x20, s20, s8, $0xb8;
	[tilespmem:$0xB400] =	vst v63  }
0xa4: {  	_ =	swait.ge [sflag:s17], $0x1000  }
0xa5: {  	[sflag:s17] =	ssyncset.done $0x0  }
0xa6: {  	[sflag:s17] =	ssyncadd.s32 $0xFFFFF000  }
0xa7: {  	_ =	swait.ge [sflag:s17], $0x1000  }
0xa8: {  	[sflag:s17] =	ssyncset.done $0x0  }
0xa9: {  	[sflag:s17] =	ssyncadd.s32 $0xFFFFF000  }
0xaa: {  	_ =	swait.ge [sflag:s17], $0x1000  }
0xab: {  	[sflag:s17] =	ssyncset.done $0x0  }
0xac: {  	[sflag:s17] =	ssyncadd.s32 $0xFFFFF000  }
0xad: {  	_ =	swait.ge [sflag:s17], $0x1000  }
0xae: {  	[sflag:s17] =	ssyncset.done $0x0  }
0xaf: {  	[sflag:s17] =	ssyncadd.s32 $0xFFFFF000  }
0xb0: {  	_ =	swait.ge [sflag:s17], $0x1000  }
0xb1: {  	[sflag:s17] =	ssyncset.done $0x0  }
0xb2: {  	[sflag:s17] =	ssyncadd.s32 $0xFFFFF000  }
0xb3: {  	_ =	swait.ge [sflag:s17], $0x1000  }
0xb4: {  	[sflag:s17] =	ssyncset.done $0x0  }
0xb5: {  	[sflag:s17] =	ssyncadd.s32 $0xFFFFF000  }
0xb6: {  	_ =	swait.ge [sflag:s17], $0x1000  }
0xb7: {  	[sflag:s17] =	ssyncset.done $0x0  }
0xb8: {  	[sflag:s17] =	ssyncadd.s32 $0xFFFFF000  }
0xb9: {  	s18 =	sadd.s32 $0x1, s18;
	_ =	swait.ge [sflag:s17], $0x1000  }
0xba: {  	p0 =	sne.s32 s18, s5;
	[sflag:s17] =	ssyncset.done $0x0  }
.Ltmp2:
0xbb: {  	s31 =	sadd.s32 s19, s6;
	[sflag:s17] =	ssyncadd.s32 $0xFFFFF000;
	(pc) =	sbr.rel @p0 .LBB2_1-.Ltmp2, $4  }
0xbc: {  	[hbm4b:s31+s2] =	stream.linear.scatter [tilespmem:s9], [sflag:$0x2], $0x8000, $0x38;
	[tilespmem:$0xB400] =	vst v63  }
0xbd: {  	_ =	swait.ge [sflag:s7], $0x8000  }
0xbe: {  	[sflag:s7] =	ssyncset.done $0x0  }
0xbf: {  	[sflag:s7] =	ssyncadd.s32 $0xFFFF8000  }
0xc0: {  	_ =	sfence.sel $0x180000  }
0xc1: {  	[bflag:$0x0] =	sbarrier.arrive $0xFFFF  }
0xc2: {  	p0 =	sne.s32 s0, $0x0;
	_ =	strace $0x90000047  }
0xc3: {  	s0 =	sadd.s32 @!p0 $0x100000, s1;
	[bflag:$0x2] =	sbarrier.arrive $0xFFFF  }
0xc4: {  	[sflag:s0] =	ssyncadd.tile.s32 @!p0 $0x1;
	_ =	shalt  }
.Lfunc_end2:
_tile_overlayer_lowered:
.L_overlay_start_2:
0xc5: {  	(tag) =	ssettag $0x2  }
0xc6: {  	s0 =	rddreg [dreg:$0x0];
	s2 =	stileid.u32  }
0xc7: {  	s1 =	rddreg [dreg:$0x1];
	p0 =	sne.s32 s2, $0x0  }
0xc8: {  	s3 =	rddreg [dreg:$0x2];
	[bflag:$0x3] =	sbarrier.arrive $0xFFFF;
	s2 =	simm.s32 @!p0 $0x1C02  }
0xc9: {  	[timem:s3], [sflag:s2] =	dma.local @!p0 [hbm:s0], s1  }
0xca: {  	s0 =	simm.s32 @!p0 $0x2  }
0xcb: {  	_ =	swait.ge @!p0 [sflag:s0], s1  }
0xcc: {  	s1 =	ssub.s32 @!p0 $0x0, s1;
	[sflag:s0] =	ssyncset.done @!p0 $0x0  }
0xcd: {  	[sflag:s0] =	ssyncadd.s32 @!p0 s1  }
0xce: {  	[bflag:$0x3] =	sbarrier.arrive $0xFFFF  }
0xcf: {  	_ =	shalt  }

// kernel: sparse-core-data-format-call.cloned.1.call-start
scs
called_computation_lowered:
.L_overlay_start_0:
0x0: {  	s2 =	sld [smem:$0x3FD9]  }
0x1: {  	s3 =	sld [smem:$0x3FFE];
	_ =	sdelay $0x1  }
0x2: {  	s1 =	srdreg.scid  }
0x3: {  	s0 =	sand.u32 $0x1, s1  }
0x4: {  	s18 =	sshll.u32 s0, $0xA;
	s2 =	sadd.s32 s3, s2  }
0x5: {  	s2 =	sadd.s32 s2, s18  }
0x6: {  	[smem:$0x3FC6] =	sst s2  }
0x7: {  	_ = 	snop  }
0x8: {  	s2 =	sld [smem:$0x3FD0];
	(tm) =	ssettm $0x1  }
0x9: {  	s19 =	sld [smem:$0x3FFB];
	_ =	sdelay $0x3  }
0xa: {  	_ =	strace s19  }
0xb: {  	s3 =	sld [smem:$0x3FFC];
	_ =	sdelay $0x3  }
0xc: {  	_ =	strace s3  }
0xd: {  	s3 =	sld [smem:$0x3FFD];
	_ =	sdelay $0x3  }
0xe: {  	_ =	strace s3  }
0xf: {  	_ =	strace $0x8FFFFFFF  }
0x10: {  	s20 =	sld [smem:$0x3FDB];
	_ =	sdelay $0x1  }
0x11: {  	s4 =	simm.s32 $_scs_section_size  }
0x12: {  	s5 =	simm.s32 $_size__tile_overlayer_lowered;
	s6 =	simm.s32 $_tile_overlayer_lowered  }
0x13: {  	s23 =	simm.s32 $0x1BFF;
	s22 =	sshll.u32 s6, $0x1;
	s3 =	sadd.s32 s4, s20  }
0x14: {  	s7 =	simm.s32 $0x0;
	s21 =	sshll.u32 s5, $0x1;
	s5 =	sadd.s32 s22, s3  }
0x15: {  	[timem:s7], [sflag:s23] =	dma.local [hbm:s5], s21  }
0x16: {  	_ =	swait.ge [sflag:s23], s21  }
0x17: {  	s4 =	ssub.s32 $0x0, s21;
	[sflag:s23] =	ssyncset.done $0x0  }
0x18: {  	[sflag:s23] =	ssyncadd.s32 s4;
	_ =	sdelay $0x1  }
0x19: {  	s24 =	simm.s32 $0x1B8B  }
0x1a: {  	_ =	swait.ge [sflag:s24], $0x1  }
0x1b: {  	[sflag:s24] =	ssyncset.done $0x0  }
0x1c: {  	s26 =	simm.s32 $0x1B8E;
	s25 =	sld [smem:$0x3FFE];
	[sflag:s24] =	ssyncadd.s32 $0xFFFFFFFF  }
0x1d: {  	s27 =	simm.s32 $execute0_lowered;
	[smem:$0x3FD2] =	sst s26  }
0x1e: {  	s5 =	sshll.u32 s27, $0x1;
	_ =	strace $0x80000049;
	[dreg:$0x1] =	wrdreg $0xFFFFFFFF  }
0x1f: {  	s28 =	simm.s32 $_size_execute0_lowered;
	s3 =	sadd.s32 s3, s5;
	[dreg:$0x0] =	wrdreg $0x0  }
0x20: {  	s5 =	sshll.u32 s28, $0x1;
	[dreg:$0x2] =	wrdreg s3  }
0x21: {  	[dreg:$0x3] =	wrdreg s5  }
0x22: {  	[dreg:$0x4] =	wrdreg $0xC0  }
0x23: {  	_ =	task [dreg:s7], $0x5FFFF  }
0x24: {  	[dreg:$0x1] =	wrdreg $0xFFFFFFFF  }
0x25: {  	[dreg:$0x0] =	wrdreg $0x60  }
0x26: {  	[dreg:$0x2] =	wrdreg s25  }
0x27: {  	[dreg:$0x3] =	wrdreg s2  }
0x28: {  	[dreg:$0x4] =	wrdreg $0x9  }
0x29: {  	_ =	task.clear_ibuf [dreg:s7], $0x5FFFF;
	_ =	strace $0x90000049  }
0x2a: {  	s29 =	simm.s32 $0x9;
	_ =	strace $0x8000004B  }
0x2b: {  	_ =	swait.ge [sflag:s29], $0x1  }
0x2c: {  	[sflag:s29] =	ssyncadd.s32 $0xFFFFFFFF  }
0x2d: {  	_ =	strace $0x9000004B  }
0x2e: {  	_ =	sfence  }
0x2f: {  	s30 =	sld [smem:$0x0];
	_ =	sdelay $0x2  }
0x30: {  	s31 =	sshll.u32 s1, $0xD;
	s1 =	sshrl.u32 s1, $0x2  }
0x31: {  	s3 =	sand.u32 $0x4000, s31;
	s1 =	sadd.s32 s1, s30  }
0x32: {  	s0 =	sor.u32 s3, s0;
	s1 =	sshll.u32 s1, $0x11  }
0x33: {  	s0 =	sor.u32 s1, s0  }
0x34: {  	s0 =	sadd.s32 $0x8F2B, s0  }
0x35: {  	[sflag:s0] =	ssyncadd.remote.s32 $0x1  }
0x36: {  	_ =	sfence.sel $0xFFFF  }
0x37: {  	[dreg:$0x0] =	wrdreg $0xFFFFFFFF;
	(pc) =	sbr.abs _section_cstart, $3  }
0x38: {  	[dreg:$0x1] =	wrdreg $0xFFFFFFFF  }
0x39: {  	_ =	task.clear_ibuf [dreg:s7], $0x2FFFF;
	_ =	strace $0x9FFFFFFF  }
0x3a: {  	(tm) =	ssettm $0x7FFFFFFF  }
0x3b: {  	_ =	shalt  }
tec
execute0_lowered:
.L_overlay_start_1:
0x0: {  	(tag) =	ssettag $0x1  }
0x1: {  	s0 =	srdreg.scid  }
0x2: {  	s1 =	sshll.u32 s0, $0x4  }
0x3: {  	s6 =	rddreg [dreg:$0x0];
	s0 =	stileid.u32;
	s1 =	sand.u32 $0x10, s1  }
0x4: {  	s3 =	rddreg [dreg:$0x1];
	s1 =	sor.u32 s0, s1  }
0x5: {  	s5 =	simm.s32 $0x1;
	s31 =	simm.s32 $0x2;
	s2 =	sshll.u32 s1, $0x7  }
0x6: {  	s15 =	simm.s32 $0x0;
	s8 =	simm.s32 $0x20000;
	s4 =	ssub.s32 $0x4000, s2  }
0x7: {  	s14 =	simm.s32 $0x0;
	s9 =	simm.s32 $0x0;
	s30 =	sand.u32 $0xF80, s4  }
0x8: {  	s10 =	simm.s32 $0x0;
	s11 =	simm.s32 $0x0;
	p0 =	sne.s32 s30, $0x0  }
.Ltmp0:
0x9: {  	s7 =	sshrl.u32 s4, $0xC;
	s5 =	simm.s32 @!p0 $0x0;
	(pc) =	sbr.rel .LBB1_1-.Ltmp0, $4  }
0xa: {  	s13 =	simm.s32 $0x0;
	s1 =	rddreg [dreg:$0x2];
	s5 =	sadd.s32 s5, s7  }
0xb: {  	_ =	strace $0x8000004A;
	s4 =	simm.s32 $0x1;
	s5 =	smul.u32 $0x7, s5  }
0xc: {  	s6 =	sadd.s32 $0xA00, s6;
	s12 =	smov.u32 s2;
	[sflag:s4] =	ssyncpa.u1 $0x0  }
0xd: {  	[sflag:s31] =	ssyncpa.u1 $0x0;
	p0 =	por $0x0, $0x0;
	s7 =	sadd.s32 $0x1, s5  }
.LBB1_4:
0xe: {  	s20 =	sshra.s32 s20, $0x2  }
0xf: {  	s28 =	sand.u32 $0x78, s10;
	s21 =	sshll.u32 s9, $0xE;
	s22 =	sshll.u32 s10, $0x3  }
0x10: {  	s24 =	sshll.u32 s9, $0x7;
	p1 =	sgt.s32 s9, $0x2C0;
	s30 =	sshra.s32 s9, $0x1F  }
0x11: {  	s26 =	sshra.s32 s10, $0x1F;
	s19 =	sadd.s32 s20, s19;
	s21 =	sand.u32 $0xFFFE0000, s21  }
0x12: {  	v5 =	vld [tilespmem:s17+$0xFFFFFFD0];
	[tilespmem:s18+$0x2040 ss:$0x81] =	vst.msk $0xffff, v4;
	s23 =	sand.u32 $0xFFFFFC00, s22;
	s29 =	sand.u32 $0x380, s24;
	s22 =	sand.u32 $0x3C00, s22  }
0x13: {  	v58 =	vld [tilespmem:s17+$0xFFFFFFE0];
	[tilespmem:s18+$0x2850 ss:$0x81] =	vst.msk $0xffff, v3;
	s21 =	sadd.s32 s23, s21;
	s20 =	sor.u32 s28, s22;
	s22 =	smov.u32 s9  }
0x14: {  	v59 =	vld [tilespmem:s17+$0xFFFFFFF0];
	[tilespmem:s18+$0x3060 ss:$0x81] =	vst.msk $0xffff, v2;
	s24 =	sand.u32 s30, s9;
	s21 =	sshrl.u32 s21, $0xE;
	s22 =	simm.s32 @!p1 $0x2C0  }
0x15: {  	v60 =	vld [tilespmem:s17+$0x0];
	[tilespmem:s18+$0x0 ss:$0x81] =	vst.msk $0xffff, v1;
	p1 =	sgt.s32 s10, $0x3F80;
	s31 =	ssub.s32 s22, s24;
	s22 =	smov.u32 s10  }
0x16: {  	v61 =	vld [tilespmem:s17+$0x10];
	[tilespmem:s19+$0x3870 ss:$0x81] =	vst.msk $0xffff, v0;
	s25 =	smulhi.u32 $0x4EC4ED, s21;
	s24 =	sand.u32 s26, s10;
	s22 =	simm.s32 @!p1 $0x3F80  }
0x17: {  	v62 =	vld [tilespmem:s17+$0x20];
	s20 =	sor.u32 s29, s20;
	[tilespmem:s19+$0x810 ss:$0x81] =	vst.msk $0xffff, v5;
	s27 =	sadd.s32 $0xFFFFFD40, s31;
	s22 =	ssub.s32 s22, s24  }
0x18: {  	v63 =	vld [tilespmem:s17+$0xFFFFFFC0];
	[tilespmem:s19+$0x1020 ss:$0x81] =	vst.msk $0xffff, v58;
	s18 =	ssub.s32 $0x340, s31;
	s28 =	smul.u32 $0x340, s25;
	s29 =	sadd.s32 $0xFFFFC080, s22  }
0x19: {  	[tilespmem:s19+$0x1830 ss:$0x81] =	vst.msk $0xffff, v59;
	p1 =	sgt.s32 s27, $0x7F;
	s22 =	ssub.s32 $0x4000, s22;
	p2 =	sgt.s32 s29, $0x7F  }
0x1a: {  	s30 =	sand.u32 $0x7, s10;
	[tilespmem:s19+$0x2040 ss:$0x81] =	vst.msk $0xffff, v60;
	s18 =	simm.s32 @p1 $0x0;
	s22 =	simm.s32 @p2 $0x0  }
0x1b: {  	s20 =	sshrl.u32 s20, $0x3;
	[tilespmem:s19+$0x2850 ss:$0x81] =	vst.msk $0xffff, v61;
	s17 =	ssub.s32 s21, s28;
	s18 =	smul.u32 s22, s18  }
0x1c: {  	[tilespmem:s19+$0x3060 ss:$0x81] =	vst.msk $0xffff, v62;
	s20 =	sadd.s32 s3, s20;
	s21 =	sshll.u32 s30, $0x12;
	s17 =	sshll.u32 s17, $0xB  }
0x1d: {  	[tilespmem:s19+$0x0 ss:$0x81] =	vst.msk $0xffff, v63;
	s31 =	sor.u32 $0x400, s21;
	s17 =	sadd.s32 s17, s20;
	s18 =	sand.u32 $0x3FFFFFFF, s18  }
0x1e: {  	[hbm4b:s17+s31] =	stream.strided.scatter [tilespmem:s16], [sflag:$0x2], s18, s8, s31, $0x20;
	[tilespmem:$0x10100] =	vst v63  }
.LBB1_5:
0x1f: {  	p1 =	slt.u32 s13, $0x2  }
0x20: {  	s17 =	smov.u32 s15;
	p2 =	sgt.s32 @!p1 s15, $0x2C0;
	s16 =	sshra.s32 @!p1 s15, $0x1F  }
0x21: {  	p3 =	sgt.s32 @!p1 s14, $0x3F80;
	s18 =	sshra.s32 @!p1 s14, $0x1F;
	p2 =	por !p2, p1  }
0x22: {  	s15 =	sand.u32 @!p1 s16, s15;
	p3 =	por !p3, p1;
	s16 =	smov.u32 s14  }
0x23: {  	s14 =	sand.u32 @!p1 s18, s14;
	s17 =	simm.s32 @p2 $0x2C0;
	s16 =	simm.s32 @p3 $0x3F80  }
0x24: {  	s15 =	ssub.s32 @!p1 s17, s15;
	s14 =	ssub.s32 @!p1 s16, s14  }
0x25: {  	s18 =	smov.u32 s12;
	s16 =	sadd.s32 @!p1 $0xFFFFFD40, s15;
	s17 =	sadd.s32 @!p1 $0xFFFFC080, s14  }
0x26: {  	s15 =	ssub.s32 @!p1 $0x340, s15;
	p2 =	sgt.s32 @!p1 s16, $0x7F;
	p3 =	sgt.s32 @!p1 s17, $0x7F  }
0x27: {  	s14 =	ssub.s32 @!p1 $0x4000, s14;
	p2 =	por !p2, p1;
	p3 =	por !p3, p1  }
0x28: {  	s16 =	sadd.s32 $0x80, s11;
	s15 =	simm.s32 @!p2 $0x0;
	s14 =	simm.s32 @!p3 $0x0  }
0x29: {  	p2 =	sgt.s32 s16, $0x33F;
	s14 =	smul.u32 @!p1 s14, s15;
	s15 =	sadd.s32 $0x1000, s12  }
0x2a: {  	s18 =	smov.u32 @p2 s15  }
0x2b: {  	s16 =	simm.s32 @p2 $0x0;
	p2 =	sgt.s32 s18, $0x3FFF  }
0x2c: {  	s18 =	smov.u32 @p2 s2;
	p2 =	sne.s32 s13, s7  }
.Ltmp1:
0x2d: {  	p0 =	por !p0, !p0;
	s17 =	simm.s32 @!p1 $0x2;
	(pc) =	sbr.rel @!p2 .LBB1_6-.Ltmp1, $4  }
0x2e: {  	s15 =	smov.u32 s9;
	s9 =	smov.u32 s11;
	s14 =	sand.u32 @!p1 $0x3FFFFFFF, s14  }
0x2f: {  	s11 =	smov.u32 s16;
	_ =	swait.ge @!p1 [sflag:s17], s14;
	s19 =	ssub.s32 @!p1 $0x0, s14  }
0x30: {  	s14 =	smov.u32 s10;
	s13 =	sadd.s32 $0x1, s13;
	[sflag:s17] =	ssyncset.done @!p1 $0x0  }
0x31: {  	s10 =	smov.u32 s12;
	s12 =	smov.u32 s18;
	[sflag:s17] =	ssyncadd.s32 @!p1 s19  }
.LBB1_1:
0x32: {  	p1 =	sge.u32 s13, s5  }
0x33: {  	s16 =	sshrl.u32 @!p1 s12, $0x3  }
0x34: {  	s17 =	sshll.u32 @!p1 s11, $0x3;
	s16 =	smul.u32 @!p1 $0x1C00, s16  }
0x35: {  	s18 =	sshll.u32 @!p1 s12, $0x7;
	s17 =	sand.u32 @!p1 $0xFFFFFC00, s17  }
0x36: {  	s16 =	sadd.s32 @!p1 s16, s17;
	s17 =	sand.u32 @!p1 $0x380, s18  }
0x37: {  	s16 =	sor.u32 @!p1 s17, s16  }
0x38: {  	s17 =	sshrl.u32 @!p1 s16, $0x7  }
0x39: {  	s17 =	smulhi.u32 @!p1 $0x24924925, s17;
	_ =	sdelay $0x1  }
0x3a: {  	s18 =	sand.u32 @!p1 $0x7F, s11;
	s19 =	smul.u32 @!p1 $0x380, s17  }
0x3b: {  	s31 =	sadd.s32 $0xFFFFFFFF, s13;
	s16 =	sor.u32 @!p1 s18, s16;
	s18 =	sxor.u32 @!p1 $0xFFFFFFFF, s13  }
0x3c: {  	s18 =	sshll.u32 @!p1 s18, $0xE;
	s17 =	sand.u32 @!p1 $0x3FFF, s17;
	s16 =	ssub.s32 @!p1 s16, s19  }
0x3d: {  	s17 =	smul.u32 @!p1 $0x70, s17;
	s19 =	sshrl.u32 @!p1 s16, $0x3;
	s16 =	sand.u32 @!p1 $0x7, s16  }
0x3e: {  	s18 =	sand.u32 @!p1 $0x4000, s18;
	s19 =	sadd.s32 @!p1 s6, s19;
	s16 =	sshll.u32 @!p1 s16, $0x12  }
0x3f: {  	s17 =	sadd.s32 @!p1 s17, s19;
	s16 =	sor.u32 @!p1 $0x400, s16;
	s19 =	simm.s32 @!p1 $0x1C00  }
0x40: {  	[tilespmem:s18], [sflag:$0x1] =	stream.strided.gather @!p1 [hbm4b:s17+s16], $0x4000, s19, s16, $0x38;
	[tilespmem:$0x10100] =	vst v63  }
0x41: {  	p1 =	sge.u32 s31, s5  }
.Ltmp2:
0x42: {  	_ = 	snop;
	(pc) =	sbr.rel @p1 .LBB1_5-.Ltmp2, $1  }
0x43: {  	_ =	sdelay $0x3  }
0x44: {  	s16 =	simm.s32 $0x1  }
0x45: {  	_ =	swait.ge [sflag:s4], $0x4000;
	s16 =	simm.s32 @!p0 $0x0  }
0x46: {  	[sflag:s4] =	ssyncset.done $0x0;
	s17 =	sshll.u32 s16, $0xE  }
0x47: {  	[sflag:s4] =	ssyncadd.s32 $0xFFFFC000;
	s17 =	sor.u32 $0x40, s17  }
0x48: {  	s16 =	smul.u32 $0x10200, s16;
	v0 =	vld [tilespmem:s17+$0x30]  }
0x49: {  	v1 =	vld [tilespmem:s17+$0xFFFFFFD0]  }
0x4a: {  	s16 =	sshrl.u32 s16, $0x2;
	v5 =	vld [tilespmem:s17+$0xFFFFFFE0]  }
0x4b: {  	v6 =	vld [tilespmem:s17+$0xFFFFFFF0];
	s19 =	sor.u32 $0x8000, s16  }
0x4c: {  	s31 =	sand.u32 $0x1, s13;
	v4 =	vld [tilespmem:s17+$0x0];
	s18 =	sadd.s32 $0x0, s19  }
0x4d: {  	v3 =	vld [tilespmem:s17+$0x10];
	s16 =	smul.u32 $0x10200, s31;
	[tilespmem:s18+$0x3870 ss:$0x81] =	vst.msk $0xffff, v0  }
0x4e: {  	v2 =	vld [tilespmem:s17+$0x20];
	[tilespmem:s18+$0x810 ss:$0x81] =	vst.msk $0xffff, v1  }
0x4f: {  	s16 =	sshrl.u32 s16, $0x2;
	v1 =	vld [tilespmem:s17+$0xFFFFFFC0];
	[tilespmem:s18+$0x1020 ss:$0x81] =	vst.msk $0xffff, v5;
	s17 =	sadd.s32 $0x80, s17  }
0x50: {  	s20 =	simm.s32 $0x4;
	s21 =	simm.s32 $0x8;
	s16 =	sor.u32 $0x8000, s16;
	[tilespmem:s18+$0x1830 ss:$0x81] =	vst.msk $0xffff, v6;
	v0 =	vld [tilespmem:s17+$0x30]  }
.LBB1_3:
0x51: {  	p1 =	sne.s32 s21, $0x1FC;
	v5 =	vld [tilespmem:s17+$0xFFFFFFD0];
	[tilespmem:s18+$0x2040 ss:$0x81] =	vst.msk $0xffff, v4  }
0x52: {  	v6 =	vld [tilespmem:s17+$0xFFFFFFE0];
	[tilespmem:s18+$0x2850 ss:$0x81] =	vst.msk $0xffff, v3  }
0x53: {  	s22 =	sshra.s32 s20, $0x2;
	s20 =	smov.u32 s21;
	v7 =	vld [tilespmem:s17+$0xFFFFFFF0];
	[tilespmem:s18+$0x3060 ss:$0x81] =	vst.msk $0xffff, v2  }
.Ltmp3:
0x54: {  	v4 =	vld [tilespmem:s17+$0x0];
	[tilespmem:s18+$0x0 ss:$0x81] =	vst.msk $0xffff, v1;
	s18 =	sadd.s32 s22, s19;
	(pc) =	sbr.rel @p1 .LBB1_3-.Ltmp3, $4  }
0x55: {  	v3 =	vld [tilespmem:s17+$0x10];
	[tilespmem:s18+$0x3870 ss:$0x81] =	vst.msk $0xffff, v0  }
0x56: {  	[tilespmem:s18+$0x810 ss:$0x81] =	vst.msk $0xffff, v5;
	v2 =	vld [tilespmem:s17+$0x20]  }
0x57: {  	v1 =	vld [tilespmem:s17+$0xFFFFFFC0];
	[tilespmem:s18+$0x1020 ss:$0x81] =	vst.msk $0xffff, v6;
	s17 =	sadd.s32 $0x80, s17  }
0x58: {  	s21 =	sadd.s32 $0x4, s21;
	v0 =	vld [tilespmem:s17+$0x30];
	[tilespmem:s18+$0x1830 ss:$0x81] =	vst.msk $0xffff, v7  }
.Ltmp4:
0x59: {  	_ = 	snop;
	(pc) =	sbr.rel .LBB1_4-.Ltmp4, $1  }
0x5a: {  	_ =	sdelay $0x3  }
.LBB1_6:
0x5b: {  	_ =	sfence.sel $0x180000  }
0x5c: {  	s2 =	simm.s32 $0x1;
	[bflag:$0x0] =	sbarrier.arrive $0xFFFF  }
0x5d: {  	s31 =	simm.s32 $0x2;
	[sflag:s2] =	ssyncpa.u1 $0x1  }
0x5e: {  	[sflag:s31] =	ssyncpa.u1 $0x1  }
0x5f: {  	p0 =	sne.s32 s0, $0x0;
	_ =	strace $0x9000004A  }
0x60: {  	s0 =	sadd.s32 @!p0 $0x100000, s1;
	[bflag:$0x2] =	sbarrier.arrive $0xFFFF  }
0x61: {  	[sflag:s0] =	ssyncadd.tile.s32 @!p0 $0x1;
	_ =	shalt  }
.Lfunc_end1:
_tile_overlayer_lowered:
.L_overlay_start_2:
0x62: {  	(tag) =	ssettag $0x2  }
0x63: {  	s0 =	rddreg [dreg:$0x0];
	s2 =	stileid.u32  }
0x64: {  	s1 =	rddreg [dreg:$0x1];
	p0 =	sne.s32 s2, $0x0  }
0x65: {  	s3 =	rddreg [dreg:$0x2];
	[bflag:$0x3] =	sbarrier.arrive $0xFFFF;
	s2 =	simm.s32 @!p0 $0x1C01  }
0x66: {  	[timem:s3], [sflag:s2] =	dma.local @!p0 [hbm:s0], s1  }
0x67: {  	s0 =	simm.s32 @!p0 $0x1  }
0x68: {  	_ =	swait.ge @!p0 [sflag:s0], s1  }
0x69: {  	s1 =	ssub.s32 @!p0 $0x0, s1;
	[sflag:s0] =	ssyncset.done @!p0 $0x0  }
0x6a: {  	[sflag:s0] =	ssyncadd.s32 @!p0 s1  }
0x6b: {  	[bflag:$0x3] =	sbarrier.arrive $0xFFFF  }
0x6c: {  	_ =	shalt  }

</sc_bundles>
